<compile_context>
chip_gen: v7x
topology: tpu7x:2x2x1
jax: 0.10.2.dev20260603
libtpu: 0.0.44.dev20260713+nightly
codegen_flags: <defaults>
</compile_context>

<pallas_src>
import functools

import jax
import jax.numpy as jnp
from jax import lax
from jax.experimental import pallas as pl
from jax.experimental.pallas import tpu as pltpu
from jax.experimental.pallas import tpu_sc as plsc

N = 10000
D = 128
K = 16
NW = 32
CH = 128
NBUF = 2


def _tc_body(z_ref, c_ref, psi_ref, g_ref):
    w = lax.dot_general(z_ref[...], psi_ref[...], (((1,), (1,)), ((), ())),
                        preferred_element_type=jnp.float32,
                        precision=lax.Precision.HIGHEST)
    g_ref[:, pl.ds(0, K)] = w
    g_ref[:, pl.ds(K, K)] = c_ref[...]


def _build_g(z, c, psi):
    return pl.pallas_call(
        _tc_body,
        out_shape=jax.ShapeDtypeStruct((N, 2 * K), jnp.float32),
    )(z, c, psi)


def _sigmoid(x):
    return 1.0 / (1.0 + jnp.exp(-x))


def _sc_edge_scores(nch):
    mesh = plsc.VectorSubcoreMesh(core_axis_name="c", subcore_axis_name="s")
    e_pad = NW * nch * CH

    @functools.partial(
        pl.kernel,
        out_type=jax.ShapeDtypeStruct((e_pad,), jnp.float32),
        mesh=mesh,
        compiler_params=pltpu.CompilerParams(
            needs_layout_passes=False, use_tc_tiling_on_sc=False),
        scratch_types=[
            pltpu.VMEM((nch, CH), jnp.int32),
            pltpu.VMEM((nch, CH), jnp.int32),
            pltpu.VMEM((CH, 2 * K), jnp.float32),
            pltpu.VMEM((CH, 2 * K), jnp.float32),
            pltpu.VMEM((CH, 2 * K), jnp.float32),
            pltpu.VMEM((CH, 2 * K), jnp.float32),
            pltpu.VMEM((nch * CH,), jnp.float32),
            pltpu.VMEM_SHARED((N, 2 * K), jnp.float32),
            pltpu.SemaphoreType.DMA,
            pltpu.SemaphoreType.DMA,
        ],
    )
    def k(g_hbm, row_hbm, col_hbm, out_hbm,
          idx_r, idx_c, gr0, gr1, gc0, gc1, obf, spg, sem0, sem1):
        nc = plsc.get_sparse_core_info().num_cores
        wid = lax.axis_index("s") * nc + lax.axis_index("c")
        crow = wid * nch

        @pl.when(lax.axis_index("s") == 0)
        def _():
            pltpu.sync_copy(g_hbm, spg)
        pltpu.sync_copy(row_hbm.at[pl.ds(crow, nch)], idx_r)
        pltpu.sync_copy(col_hbm.at[pl.ds(crow, nch)], idx_c)
        plsc.subcore_barrier()

        slots = ((gr0, gc0, sem0), (gr1, gc1, sem1))

        def start(i, b):
            grb, gcb, semb = slots[b]
            pltpu.async_copy(spg.at[idx_r.at[i]], grb, semb)
            pltpu.async_copy(spg.at[idx_c.at[i]], gcb, semb)

        def wait(b):
            grb, gcb, semb = slots[b]
            pltpu.make_async_copy(g_hbm.at[pl.ds(0, CH)], grb, semb).wait()
            pltpu.make_async_copy(g_hbm.at[pl.ds(0, CH)], gcb, semb).wait()

        lane = lax.iota(jnp.int32, 16)

        def compute(i, b):
            grb, gcb, _ = slots[b]

            def group(t, _):
                za = jnp.zeros((16,), jnp.float32)
                r1 = za
                r2 = za
                for j in range(16):
                    e = t * 16 + j
                    wr = grb[e, pl.ds(0, K)]
                    cr = grb[e, pl.ds(K, K)]
                    wc = gcb[e, pl.ds(0, K)]
                    cc = gcb[e, pl.ds(K, K)]
                    s1 = jnp.sum(wr * cc)
                    s2 = jnp.sum(wc * cr)
                    m = lane == j
                    r1 = jnp.where(m, jnp.full((16,), s1), r1)
                    r2 = jnp.where(m, jnp.full((16,), s2), r2)
                s = 0.5 * (_sigmoid(r1) + _sigmoid(r2))
                obf[pl.ds(i * CH + t * 16, 16)] = s
                return 0

            lax.fori_loop(0, CH // 16, group, 0)

        start(0, 0)
        start(1, 1)

        def ring(p, _):
            for b in range(NBUF):
                i = p * NBUF + b
                wait(b)
                compute(i, b)

                @pl.when(i + NBUF < nch)
                def _():
                    start(i + NBUF, b)
            return 0

        lax.fori_loop(0, nch // NBUF, ring, 0)
        pltpu.sync_copy(obf, out_hbm.at[pl.ds(crow * CH, nch * CH)])

    return k


def kernel(z, edge_index, c, psi, mp_samples):
    del mp_samples
    e = edge_index.shape[1]
    nch = -(-e // (NW * CH * NBUF)) * NBUF
    e_pad = NW * nch * CH
    row = jnp.pad(edge_index[0].astype(jnp.int32), (0, e_pad - e))
    col = jnp.pad(edge_index[1].astype(jnp.int32), (0, e_pad - e))
    row = row.reshape(NW * nch, CH)
    col = col.reshape(NW * nch, CH)
    g = _build_g(z, c, psi)
    out = _sc_edge_scores(nch)(g, row, col)
    return out[:e]

# --- scband reference (transcript-rebuilt; emitter-appended) ---
"""Pipeline reference for scband-inner-product-decoder-nshe2-61881888801352 (READ-ONLY COPY).

The authoritative reference and input builder live on the scoring server;
editing this copy changes nothing except your own understanding.
"""

import jax, jax.numpy as jnp
import numpy as np


def setup_inputs(seed: int = 0) -> dict:
    key = jax.random.key(seed)
    k1, k2, k3, k4 = jax.random.split(key, 4)
    N, d, E, K = 10000, 128, 320000, 16
    z = jax.random.normal(k1, (N, d), dtype=jnp.float32)
    edge_index = jax.random.randint(k2, (2, E), 0, N, dtype=jnp.int64)
    c = jax.random.uniform(k3, (N, K), dtype=jnp.float32)
    psi = jax.random.normal(k4, (K, d), dtype=jnp.float32)
    mp_samples = jnp.zeros((1,), dtype=jnp.int64)
    return {"z": z, "edge_index": edge_index, "c": c, "psi": psi, "mp_samples": mp_samples}


def reference(z, edge_index, c, psi, mp_samples):
    row = edge_index[0]
    col = edge_index[1]
    # psi_c[n, :] = sum_k c[n, k] * psi[k, :]  -> [N, d]
    psi_c = jnp.sum(c[:, :, None] * psi[None, :, :], axis=1)
    s1 = jax.nn.sigmoid(jnp.sum(z[row] * psi_c[col], axis=1))
    s2 = jax.nn.sigmoid(jnp.sum(z[col] * psi_c[row], axis=1))
    return (s1 + s2) / 2

if __name__ == "__main__":
    import jax
    _d = setup_inputs()
    print(jax.jit(kernel)(*tuple(_d.values())))

</pallas_src>

<mosaic_0001>
#map = affine_map<(d0, d1) -> (0, 0)>
#map1 = affine_map<(d0, d1) -> (0)>
module attributes {stable_mosaic.version = 14 : i64} {
  func.func @k(%arg0: i32, %arg1: i32, %arg2: memref<10000x32xf32, #tpu.memory_space<hbm>>, %arg3: memref<2560x128xi32, #tpu.memory_space<hbm>>, %arg4: memref<2560x128xi32, #tpu.memory_space<hbm>>, %arg5: memref<327680xf32, #tpu.memory_space<hbm>>, %arg6: memref<80x128xi32, #tpu.memory_space<vmem>>, %arg7: memref<80x128xi32, #tpu.memory_space<vmem>>, %arg8: memref<128x32xf32, #tpu.memory_space<vmem>>, %arg9: memref<128x32xf32, #tpu.memory_space<vmem>>, %arg10: memref<128x32xf32, #tpu.memory_space<vmem>>, %arg11: memref<128x32xf32, #tpu.memory_space<vmem>>, %arg12: memref<10240xf32, #tpu.memory_space<vmem>>, %arg13: memref<10000x32xf32, #tpu.memory_space<vmem_shared>>, %arg14: memref<!tpu.dma_semaphore, #tpu.memory_space<semaphore_mem>>, %arg15: memref<!tpu.dma_semaphore, #tpu.memory_space<semaphore_mem>>) attributes {dimension_semantics = [#tpu.dimension_semantics<core_parallel>, #tpu.dimension_semantics<subcore_parallel>], iteration_bounds = array<i64: 2, 16>, scalar_prefetch = 0 : i64, scratch_operands = 10 : i64, tpu.core_type = #tpu.core_type<sc_vector_subcore>, window_params = [{transform_indices = #map}, {transform_indices = #map}, {transform_indices = #map}, {transform_indices = #map1}]} {
    %mul3A = arith.constant 2 : i32
    %mul3A_0 = arith.muli %arg1, %mul3A : i32
    %add3A = arith.addi %mul3A_0, %arg0 : i32
    %mul3A_1 = arith.constant 80 : i32
    %mul3A_2 = arith.muli %add3A, %mul3A_1 : i32
    %eq3A = arith.constant 0 : i32
    %eq3A_3 = arith.cmpi eq, %arg1, %eq3A : i32
    %convert_element_type3A = arith.extui %eq3A_3 : i1 to i32
    %cond3A = arith.constant 0 : i32
    %cond3A_4 = arith.cmpi ne, %convert_element_type3A, %cond3A : i32
    scf.if %cond3A_4 {
      "tpu.region"() ({
        %run_scoped3A = tpu.sem_alloc : memref<!tpu.dma_semaphore, #tpu.memory_space<semaphore_mem>>
        tpu.enqueue_dma source(%arg2 : memref<10000x32xf32, #tpu.memory_space<hbm>>) target(%arg13 : memref<10000x32xf32, #tpu.memory_space<vmem_shared>>) target_semaphore(%run_scoped3A : memref<!tpu.dma_semaphore, #tpu.memory_space<semaphore_mem>>)
        tpu.wait_dma2 semaphore(%run_scoped3A : memref<!tpu.dma_semaphore, #tpu.memory_space<semaphore_mem>>) src(%arg2 : memref<10000x32xf32, #tpu.memory_space<hbm>>) dst(%arg13 : memref<10000x32xf32, #tpu.memory_space<vmem_shared>>)
        tpu.yield
      }) : () -> ()
    } else {
    }
    "tpu.region"() ({
      %run_scoped3A = tpu.sem_alloc : memref<!tpu.dma_semaphore, #tpu.memory_space<semaphore_mem>>
      %dma_start3A_40 = arith.constant 0 : i32
      %dma_start3A_41 = tpu.memref_slice %arg3[%mul3A_2, %dma_start3A_40] : memref<2560x128xi32, #tpu.memory_space<hbm>> -> memref<80x128xi32, #tpu.memory_space<hbm>>
      %dma_start3A_42 = arith.constant 0 : i32
      %dma_start3A_43 = tpu.memref_slice %arg3[%mul3A_2, %dma_start3A_42] : memref<2560x128xi32, #tpu.memory_space<hbm>> -> memref<80x128xi32, #tpu.memory_space<hbm>>
      tpu.enqueue_dma source(%dma_start3A_43 : memref<80x128xi32, #tpu.memory_space<hbm>>) target(%arg6 : memref<80x128xi32, #tpu.memory_space<vmem>>) target_semaphore(%run_scoped3A : memref<!tpu.dma_semaphore, #tpu.memory_space<semaphore_mem>>)
      %dma_wait3A = arith.constant 0 : i32
      %dma_wait3A_44 = tpu.memref_slice %arg3[%mul3A_2, %dma_wait3A] : memref<2560x128xi32, #tpu.memory_space<hbm>> -> memref<80x128xi32, #tpu.memory_space<hbm>>
      %dma_wait3A_45 = arith.constant 0 : i32
      %dma_wait3A_46 = tpu.memref_slice %arg3[%mul3A_2, %dma_wait3A_45] : memref<2560x128xi32, #tpu.memory_space<hbm>> -> memref<80x128xi32, #tpu.memory_space<hbm>>
      tpu.wait_dma2 semaphore(%run_scoped3A : memref<!tpu.dma_semaphore, #tpu.memory_space<semaphore_mem>>) src(%dma_wait3A_46 : memref<80x128xi32, #tpu.memory_space<hbm>>) dst(%arg6 : memref<80x128xi32, #tpu.memory_space<vmem>>)
      tpu.yield
    }) : () -> ()
    "tpu.region"() ({
      %run_scoped3A = tpu.sem_alloc : memref<!tpu.dma_semaphore, #tpu.memory_space<semaphore_mem>>
      %dma_start3A_40 = arith.constant 0 : i32
      %dma_start3A_41 = tpu.memref_slice %arg4[%mul3A_2, %dma_start3A_40] : memref<2560x128xi32, #tpu.memory_space<hbm>> -> memref<80x128xi32, #tpu.memory_space<hbm>>
      %dma_start3A_42 = arith.constant 0 : i32
      %dma_start3A_43 = tpu.memref_slice %arg4[%mul3A_2, %dma_start3A_42] : memref<2560x128xi32, #tpu.memory_space<hbm>> -> memref<80x128xi32, #tpu.memory_space<hbm>>
      tpu.enqueue_dma source(%dma_start3A_43 : memref<80x128xi32, #tpu.memory_space<hbm>>) target(%arg7 : memref<80x128xi32, #tpu.memory_space<vmem>>) target_semaphore(%run_scoped3A : memref<!tpu.dma_semaphore, #tpu.memory_space<semaphore_mem>>)
      %dma_wait3A = arith.constant 0 : i32
      %dma_wait3A_44 = tpu.memref_slice %arg4[%mul3A_2, %dma_wait3A] : memref<2560x128xi32, #tpu.memory_space<hbm>> -> memref<80x128xi32, #tpu.memory_space<hbm>>
      %dma_wait3A_45 = arith.constant 0 : i32
      %dma_wait3A_46 = tpu.memref_slice %arg4[%mul3A_2, %dma_wait3A_45] : memref<2560x128xi32, #tpu.memory_space<hbm>> -> memref<80x128xi32, #tpu.memory_space<hbm>>
      tpu.wait_dma2 semaphore(%run_scoped3A : memref<!tpu.dma_semaphore, #tpu.memory_space<semaphore_mem>>) src(%dma_wait3A_46 : memref<80x128xi32, #tpu.memory_space<hbm>>) dst(%arg7 : memref<80x128xi32, #tpu.memory_space<vmem>>)
      tpu.yield
    }) : () -> ()
    %barrier3A = arith.constant 0 : index
    tpu.barrier barrier_id(%barrier3A)
    %iota3A = tpu.iota {dimensions = array<i32: 0>} : vector<16xi32>
    %dma_start3A = arith.constant 0 : i32
    %dma_start3A_5 = arith.constant 0 : i32
    %dma_start3A_6 = tpu.memref_slice %arg6[%dma_start3A, %dma_start3A_5] : memref<80x128xi32, #tpu.memory_space<vmem>> -> memref<1x128xi32, #tpu.memory_space<vmem>>
    %dma_start3A_7 = tpu.memref_squeeze %dma_start3A_6 : memref<1x128xi32, #tpu.memory_space<vmem>> -> memref<128xi32, #tpu.memory_space<vmem>>
    %dma_start3A_8 = arith.constant 0 : i32
    %dma_start3A_9 = arith.constant 0 : i32
    %dma_start3A_10 = tpu.memref_slice %arg13[%dma_start3A_8, %dma_start3A_9] : memref<10000x32xf32, #tpu.memory_space<vmem_shared>> -> memref<10000x32xf32, #tpu.memory_space<vmem_shared>>
    tpu.enqueue_indirect_dma source(%dma_start3A_10 : memref<10000x32xf32, #tpu.memory_space<vmem_shared>>) target(%arg8 : memref<128x32xf32, #tpu.memory_space<vmem>>) offsets(%dma_start3A_7 : memref<128xi32, #tpu.memory_space<vmem>>) semaphore(%arg14 : memref<!tpu.dma_semaphore, #tpu.memory_space<semaphore_mem>>)
    %dma_start3A_11 = arith.constant 0 : i32
    %dma_start3A_12 = arith.constant 0 : i32
    %dma_start3A_13 = tpu.memref_slice %arg7[%dma_start3A_11, %dma_start3A_12] : memref<80x128xi32, #tpu.memory_space<vmem>> -> memref<1x128xi32, #tpu.memory_space<vmem>>
    %dma_start3A_14 = tpu.memref_squeeze %dma_start3A_13 : memref<1x128xi32, #tpu.memory_space<vmem>> -> memref<128xi32, #tpu.memory_space<vmem>>
    %dma_start3A_15 = arith.constant 0 : i32
    %dma_start3A_16 = arith.constant 0 : i32
    %dma_start3A_17 = tpu.memref_slice %arg13[%dma_start3A_15, %dma_start3A_16] : memref<10000x32xf32, #tpu.memory_space<vmem_shared>> -> memref<10000x32xf32, #tpu.memory_space<vmem_shared>>
    tpu.enqueue_indirect_dma source(%dma_start3A_17 : memref<10000x32xf32, #tpu.memory_space<vmem_shared>>) target(%arg10 : memref<128x32xf32, #tpu.memory_space<vmem>>) offsets(%dma_start3A_14 : memref<128xi32, #tpu.memory_space<vmem>>) semaphore(%arg14 : memref<!tpu.dma_semaphore, #tpu.memory_space<semaphore_mem>>)
    %dma_start3A_18 = arith.constant 1 : i32
    %dma_start3A_19 = arith.constant 0 : i32
    %dma_start3A_20 = tpu.memref_slice %arg6[%dma_start3A_18, %dma_start3A_19] : memref<80x128xi32, #tpu.memory_space<vmem>> -> memref<1x128xi32, #tpu.memory_space<vmem>>
    %dma_start3A_21 = tpu.memref_squeeze %dma_start3A_20 : memref<1x128xi32, #tpu.memory_space<vmem>> -> memref<128xi32, #tpu.memory_space<vmem>>
    %dma_start3A_22 = arith.constant 0 : i32
    %dma_start3A_23 = arith.constant 0 : i32
    %dma_start3A_24 = tpu.memref_slice %arg13[%dma_start3A_22, %dma_start3A_23] : memref<10000x32xf32, #tpu.memory_space<vmem_shared>> -> memref<10000x32xf32, #tpu.memory_space<vmem_shared>>
    tpu.enqueue_indirect_dma source(%dma_start3A_24 : memref<10000x32xf32, #tpu.memory_space<vmem_shared>>) target(%arg9 : memref<128x32xf32, #tpu.memory_space<vmem>>) offsets(%dma_start3A_21 : memref<128xi32, #tpu.memory_space<vmem>>) semaphore(%arg15 : memref<!tpu.dma_semaphore, #tpu.memory_space<semaphore_mem>>)
    %dma_start3A_25 = arith.constant 1 : i32
    %dma_start3A_26 = arith.constant 0 : i32
    %dma_start3A_27 = tpu.memref_slice %arg7[%dma_start3A_25, %dma_start3A_26] : memref<80x128xi32, #tpu.memory_space<vmem>> -> memref<1x128xi32, #tpu.memory_space<vmem>>
    %dma_start3A_28 = tpu.memref_squeeze %dma_start3A_27 : memref<1x128xi32, #tpu.memory_space<vmem>> -> memref<128xi32, #tpu.memory_space<vmem>>
    %dma_start3A_29 = arith.constant 0 : i32
    %dma_start3A_30 = arith.constant 0 : i32
    %dma_start3A_31 = tpu.memref_slice %arg13[%dma_start3A_29, %dma_start3A_30] : memref<10000x32xf32, #tpu.memory_space<vmem_shared>> -> memref<10000x32xf32, #tpu.memory_space<vmem_shared>>
    tpu.enqueue_indirect_dma source(%dma_start3A_31 : memref<10000x32xf32, #tpu.memory_space<vmem_shared>>) target(%arg11 : memref<128x32xf32, #tpu.memory_space<vmem>>) offsets(%dma_start3A_28 : memref<128xi32, #tpu.memory_space<vmem>>) semaphore(%arg15 : memref<!tpu.dma_semaphore, #tpu.memory_space<semaphore_mem>>)
    %scan3A = arith.constant 0 : i32
    %scan3A_32 = arith.constant 0 : i32
    %scan3A_33 = arith.constant 40 : i32
    %scan3A_34 = arith.addi %scan3A_32, %scan3A_33 : i32
    %scan3A_35 = arith.constant 1 : i32
    %scan3A_36 = scf.for %scan3A_40 = %scan3A_32 to %scan3A_34 step %scan3A_35 iter_args(%scan3A_41 = %scan3A) -> (i32)  : i32 {
      %mul3A_42 = arith.constant 2 : i32
      %mul3A_43 = arith.muli %scan3A_40, %mul3A_42 : i32
      %add3A_44 = arith.constant 0 : i32
      %add3A_45 = arith.addi %mul3A_43, %add3A_44 : i32
      %dma_wait3A = arith.constant 0 : i32
      %dma_wait3A_46 = arith.constant 0 : i32
      %dma_wait3A_47 = tpu.memref_slice %arg2[%dma_wait3A, %dma_wait3A_46] : memref<10000x32xf32, #tpu.memory_space<hbm>> -> memref<128x32xf32, #tpu.memory_space<hbm>>
      %dma_wait3A_48 = arith.constant 0 : i32
      %dma_wait3A_49 = arith.constant 0 : i32
      %dma_wait3A_50 = tpu.memref_slice %arg2[%dma_wait3A_48, %dma_wait3A_49] : memref<10000x32xf32, #tpu.memory_space<hbm>> -> memref<128x32xf32, #tpu.memory_space<hbm>>
      tpu.wait_dma2 semaphore(%arg14 : memref<!tpu.dma_semaphore, #tpu.memory_space<semaphore_mem>>) src(%dma_wait3A_50 : memref<128x32xf32, #tpu.memory_space<hbm>>) dst(%arg8 : memref<128x32xf32, #tpu.memory_space<vmem>>)
      %dma_wait3A_51 = arith.constant 0 : i32
      %dma_wait3A_52 = arith.constant 0 : i32
      %dma_wait3A_53 = tpu.memref_slice %arg2[%dma_wait3A_51, %dma_wait3A_52] : memref<10000x32xf32, #tpu.memory_space<hbm>> -> memref<128x32xf32, #tpu.memory_space<hbm>>
      %dma_wait3A_54 = arith.constant 0 : i32
      %dma_wait3A_55 = arith.constant 0 : i32
      %dma_wait3A_56 = tpu.memref_slice %arg2[%dma_wait3A_54, %dma_wait3A_55] : memref<10000x32xf32, #tpu.memory_space<hbm>> -> memref<128x32xf32, #tpu.memory_space<hbm>>
      tpu.wait_dma2 semaphore(%arg14 : memref<!tpu.dma_semaphore, #tpu.memory_space<semaphore_mem>>) src(%dma_wait3A_56 : memref<128x32xf32, #tpu.memory_space<hbm>>) dst(%arg10 : memref<128x32xf32, #tpu.memory_space<vmem>>)
      %scan3A_57 = arith.constant 0 : i32
      %scan3A_58 = arith.constant 0 : i32
      %scan3A_59 = arith.constant 8 : i32
      %scan3A_60 = arith.addi %scan3A_58, %scan3A_59 : i32
      %scan3A_61 = arith.constant 1 : i32
      %scan3A_62 = scf.for %scan3A_101 = %scan3A_58 to %scan3A_60 step %scan3A_61 iter_args(%scan3A_102 = %scan3A_57) -> (i32)  : i32 {
        %broadcast_in_dim3A = arith.constant 0.000000e+00 : f32
        %broadcast_in_dim3A_103 = vector.broadcast %broadcast_in_dim3A : f32 to vector<16xf32>
        %mul3A_104 = arith.constant 16 : i32
        %mul3A_105 = arith.muli %scan3A_101, %mul3A_104 : i32
        %add3A_106 = arith.constant 0 : i32
        %add3A_107 = arith.addi %mul3A_105, %add3A_106 : i32
        %get3A = arith.index_cast %add3A_107 : i32 to index
        %get3A_108 = arith.constant 0 : index
        %get3A_109 = tpu.vector_load %arg8[%get3A, %get3A_108] {strides = array<i32>} : memref<128x32xf32, #tpu.memory_space<vmem>>, vector<16xf32>,
        %get3A_110 = arith.index_cast %add3A_107 : i32 to index
        %get3A_111 = arith.constant 16 : index
        %get3A_112 = tpu.vector_load %arg8[%get3A_110, %get3A_111] {strides = array<i32>} : memref<128x32xf32, #tpu.memory_space<vmem>>, vector<16xf32>,
        %get3A_113 = arith.index_cast %add3A_107 : i32 to index
        %get3A_114 = arith.constant 0 : index
        %get3A_115 = tpu.vector_load %arg10[%get3A_113, %get3A_114] {strides = array<i32>} : memref<128x32xf32, #tpu.memory_space<vmem>>, vector<16xf32>,
        %get3A_116 = arith.index_cast %add3A_107 : i32 to index
        %get3A_117 = arith.constant 16 : index
        %get3A_118 = tpu.vector_load %arg10[%get3A_116, %get3A_117] {strides = array<i32>} : memref<128x32xf32, #tpu.memory_space<vmem>>, vector<16xf32>,
        %mul3A_119 = arith.mulf %get3A_109, %get3A_118 : vector<16xf32>
        %reduce_sum3A = arith.constant true
        %reduce_sum3A_120 = vector.broadcast %reduce_sum3A : i1 to vector<16xi1>
        %reduce_sum3A_121 = tpu.scan <sum>, %mul3A_119 masked %reduce_sum3A_120 : vector<16xf32>, vector<16xi1> -> vector<16xf32>
        %reduce_sum3A_122 = vector.extract %reduce_sum3A_121[15] : f32 from vector<16xf32>
        %mul3A_123 = arith.mulf %get3A_115, %get3A_112 : vector<16xf32>
        %reduce_sum3A_124 = arith.constant true
        %reduce_sum3A_125 = vector.broadcast %reduce_sum3A_124 : i1 to vector<16xi1>
        %reduce_sum3A_126 = tpu.scan <sum>, %mul3A_123 masked %reduce_sum3A_125 : vector<16xf32>, vector<16xi1> -> vector<16xf32>
        %reduce_sum3A_127 = vector.extract %reduce_sum3A_126[15] : f32 from vector<16xf32>
        %eq3A_128 = arith.constant 0 : i32
        %eq3A_129 = vector.broadcast %eq3A_128 : i32 to vector<16xi32>
        %eq3A_130 = arith.cmpi eq, %iota3A, %eq3A_129 : vector<16xi32>
        %broadcast_in_dim3A_131 = vector.broadcast %reduce_sum3A_122 : f32 to vector<16xf32>
        %select_n3A = arith.select %eq3A_130, %broadcast_in_dim3A_131, %broadcast_in_dim3A_103 : vector<16xi1>, vector<16xf32>
        %broadcast_in_dim3A_132 = vector.broadcast %reduce_sum3A_127 : f32 to vector<16xf32>
        %select_n3A_133 = arith.select %eq3A_130, %broadcast_in_dim3A_132, %broadcast_in_dim3A_103 : vector<16xi1>, vector<16xf32>
        %mul3A_134 = arith.constant 16 : i32
        %mul3A_135 = arith.muli %scan3A_101, %mul3A_134 : i32
        %add3A_136 = arith.constant 1 : i32
        %add3A_137 = arith.addi %mul3A_135, %add3A_136 : i32
        %get3A_138 = arith.index_cast %add3A_137 : i32 to index
        %get3A_139 = arith.constant 0 : index
        %get3A_140 = tpu.vector_load %arg8[%get3A_138, %get3A_139] {strides = array<i32>} : memref<128x32xf32, #tpu.memory_space<vmem>>, vector<16xf32>,
        %get3A_141 = arith.index_cast %add3A_137 : i32 to index
        %get3A_142 = arith.constant 16 : index
        %get3A_143 = tpu.vector_load %arg8[%get3A_141, %get3A_142] {strides = array<i32>} : memref<128x32xf32, #tpu.memory_space<vmem>>, vector<16xf32>,
        %get3A_144 = arith.index_cast %add3A_137 : i32 to index
        %get3A_145 = arith.constant 0 : index
        %get3A_146 = tpu.vector_load %arg10[%get3A_144, %get3A_145] {strides = array<i32>} : memref<128x32xf32, #tpu.memory_space<vmem>>, vector<16xf32>,
        %get3A_147 = arith.index_cast %add3A_137 : i32 to index
        %get3A_148 = arith.constant 16 : index
        %get3A_149 = tpu.vector_load %arg10[%get3A_147, %get3A_148] {strides = array<i32>} : memref<128x32xf32, #tpu.memory_space<vmem>>, vector<16xf32>,
        %mul3A_150 = arith.mulf %get3A_140, %get3A_149 : vector<16xf32>
        %reduce_sum3A_151 = arith.constant true
        %reduce_sum3A_152 = vector.broadcast %reduce_sum3A_151 : i1 to vector<16xi1>
        %reduce_sum3A_153 = tpu.scan <sum>, %mul3A_150 masked %reduce_sum3A_152 : vector<16xf32>, vector<16xi1> -> vector<16xf32>
        %reduce_sum3A_154 = vector.extract %reduce_sum3A_153[15] : f32 from vector<16xf32>
        %mul3A_155 = arith.mulf %get3A_146, %get3A_143 : vector<16xf32>
        %reduce_sum3A_156 = arith.constant true
        %reduce_sum3A_157 = vector.broadcast %reduce_sum3A_156 : i1 to vector<16xi1>
        %reduce_sum3A_158 = tpu.scan <sum>, %mul3A_155 masked %reduce_sum3A_157 : vector<16xf32>, vector<16xi1> -> vector<16xf32>
        %reduce_sum3A_159 = vector.extract %reduce_sum3A_158[15] : f32 from vector<16xf32>
        %eq3A_160 = arith.constant 1 : i32
        %eq3A_161 = vector.broadcast %eq3A_160 : i32 to vector<16xi32>
        %eq3A_162 = arith.cmpi eq, %iota3A, %eq3A_161 : vector<16xi32>
        %broadcast_in_dim3A_163 = vector.broadcast %reduce_sum3A_154 : f32 to vector<16xf32>
        %select_n3A_164 = arith.select %eq3A_162, %broadcast_in_dim3A_163, %select_n3A : vector<16xi1>, vector<16xf32>
        %broadcast_in_dim3A_165 = vector.broadcast %reduce_sum3A_159 : f32 to vector<16xf32>
        %select_n3A_166 = arith.select %eq3A_162, %broadcast_in_dim3A_165, %select_n3A_133 : vector<16xi1>, vector<16xf32>
        %mul3A_167 = arith.constant 16 : i32
        %mul3A_168 = arith.muli %scan3A_101, %mul3A_167 : i32
        %add3A_169 = arith.constant 2 : i32
        %add3A_170 = arith.addi %mul3A_168, %add3A_169 : i32
        %get3A_171 = arith.index_cast %add3A_170 : i32 to index
        %get3A_172 = arith.constant 0 : index
        %get3A_173 = tpu.vector_load %arg8[%get3A_171, %get3A_172] {strides = array<i32>} : memref<128x32xf32, #tpu.memory_space<vmem>>, vector<16xf32>,
        %get3A_174 = arith.index_cast %add3A_170 : i32 to index
        %get3A_175 = arith.constant 16 : index
        %get3A_176 = tpu.vector_load %arg8[%get3A_174, %get3A_175] {strides = array<i32>} : memref<128x32xf32, #tpu.memory_space<vmem>>, vector<16xf32>,
        %get3A_177 = arith.index_cast %add3A_170 : i32 to index
        %get3A_178 = arith.constant 0 : index
        %get3A_179 = tpu.vector_load %arg10[%get3A_177, %get3A_178] {strides = array<i32>} : memref<128x32xf32, #tpu.memory_space<vmem>>, vector<16xf32>,
        %get3A_180 = arith.index_cast %add3A_170 : i32 to index
        %get3A_181 = arith.constant 16 : index
        %get3A_182 = tpu.vector_load %arg10[%get3A_180, %get3A_181] {strides = array<i32>} : memref<128x32xf32, #tpu.memory_space<vmem>>, vector<16xf32>,
        %mul3A_183 = arith.mulf %get3A_173, %get3A_182 : vector<16xf32>
        %reduce_sum3A_184 = arith.constant true
        %reduce_sum3A_185 = vector.broadcast %reduce_sum3A_184 : i1 to vector<16xi1>
        %reduce_sum3A_186 = tpu.scan <sum>, %mul3A_183 masked %reduce_sum3A_185 : vector<16xf32>, vector<16xi1> -> vector<16xf32>
        %reduce_sum3A_187 = vector.extract %reduce_sum3A_186[15] : f32 from vector<16xf32>
        %mul3A_188 = arith.mulf %get3A_179, %get3A_176 : vector<16xf32>
        %reduce_sum3A_189 = arith.constant true
        %reduce_sum3A_190 = vector.broadcast %reduce_sum3A_189 : i1 to vector<16xi1>
        %reduce_sum3A_191 = tpu.scan <sum>, %mul3A_188 masked %reduce_sum3A_190 : vector<16xf32>, vector<16xi1> -> vector<16xf32>
        %reduce_sum3A_192 = vector.extract %reduce_sum3A_191[15] : f32 from vector<16xf32>
        %eq3A_193 = arith.constant 2 : i32
        %eq3A_194 = vector.broadcast %eq3A_193 : i32 to vector<16xi32>
        %eq3A_195 = arith.cmpi eq, %iota3A, %eq3A_194 : vector<16xi32>
        %broadcast_in_dim3A_196 = vector.broadcast %reduce_sum3A_187 : f32 to vector<16xf32>
        %select_n3A_197 = arith.select %eq3A_195, %broadcast_in_dim3A_196, %select_n3A_164 : vector<16xi1>, vector<16xf32>
        %broadcast_in_dim3A_198 = vector.broadcast %reduce_sum3A_192 : f32 to vector<16xf32>
        %select_n3A_199 = arith.select %eq3A_195, %broadcast_in_dim3A_198, %select_n3A_166 : vector<16xi1>, vector<16xf32>
        %mul3A_200 = arith.constant 16 : i32
        %mul3A_201 = arith.muli %scan3A_101, %mul3A_200 : i32
        %add3A_202 = arith.constant 3 : i32
        %add3A_203 = arith.addi %mul3A_201, %add3A_202 : i32
        %get3A_204 = arith.index_cast %add3A_203 : i32 to index
        %get3A_205 = arith.constant 0 : index
        %get3A_206 = tpu.vector_load %arg8[%get3A_204, %get3A_205] {strides = array<i32>} : memref<128x32xf32, #tpu.memory_space<vmem>>, vector<16xf32>,
        %get3A_207 = arith.index_cast %add3A_203 : i32 to index
        %get3A_208 = arith.constant 16 : index
        %get3A_209 = tpu.vector_load %arg8[%get3A_207, %get3A_208] {strides = array<i32>} : memref<128x32xf32, #tpu.memory_space<vmem>>, vector<16xf32>,
        %get3A_210 = arith.index_cast %add3A_203 : i32 to index
        %get3A_211 = arith.constant 0 : index
        %get3A_212 = tpu.vector_load %arg10[%get3A_210, %get3A_211] {strides = array<i32>} : memref<128x32xf32, #tpu.memory_space<vmem>>, vector<16xf32>,
        %get3A_213 = arith.index_cast %add3A_203 : i32 to index
        %get3A_214 = arith.constant 16 : index
        %get3A_215 = tpu.vector_load %arg10[%get3A_213, %get3A_214] {strides = array<i32>} : memref<128x32xf32, #tpu.memory_space<vmem>>, vector<16xf32>,
        %mul3A_216 = arith.mulf %get3A_206, %get3A_215 : vector<16xf32>
        %reduce_sum3A_217 = arith.constant true
        %reduce_sum3A_218 = vector.broadcast %reduce_sum3A_217 : i1 to vector<16xi1>
        %reduce_sum3A_219 = tpu.scan <sum>, %mul3A_216 masked %reduce_sum3A_218 : vector<16xf32>, vector<16xi1> -> vector<16xf32>
        %reduce_sum3A_220 = vector.extract %reduce_sum3A_219[15] : f32 from vector<16xf32>
        %mul3A_221 = arith.mulf %get3A_212, %get3A_209 : vector<16xf32>
        %reduce_sum3A_222 = arith.constant true
        %reduce_sum3A_223 = vector.broadcast %reduce_sum3A_222 : i1 to vector<16xi1>
        %reduce_sum3A_224 = tpu.scan <sum>, %mul3A_221 masked %reduce_sum3A_223 : vector<16xf32>, vector<16xi1> -> vector<16xf32>
        %reduce_sum3A_225 = vector.extract %reduce_sum3A_224[15] : f32 from vector<16xf32>
        %eq3A_226 = arith.constant 3 : i32
        %eq3A_227 = vector.broadcast %eq3A_226 : i32 to vector<16xi32>
        %eq3A_228 = arith.cmpi eq, %iota3A, %eq3A_227 : vector<16xi32>
        %broadcast_in_dim3A_229 = vector.broadcast %reduce_sum3A_220 : f32 to vector<16xf32>
        %select_n3A_230 = arith.select %eq3A_228, %broadcast_in_dim3A_229, %select_n3A_197 : vector<16xi1>, vector<16xf32>
        %broadcast_in_dim3A_231 = vector.broadcast %reduce_sum3A_225 : f32 to vector<16xf32>
        %select_n3A_232 = arith.select %eq3A_228, %broadcast_in_dim3A_231, %select_n3A_199 : vector<16xi1>, vector<16xf32>
        %mul3A_233 = arith.constant 16 : i32
        %mul3A_234 = arith.muli %scan3A_101, %mul3A_233 : i32
        %add3A_235 = arith.constant 4 : i32
        %add3A_236 = arith.addi %mul3A_234, %add3A_235 : i32
        %get3A_237 = arith.index_cast %add3A_236 : i32 to index
        %get3A_238 = arith.constant 0 : index
        %get3A_239 = tpu.vector_load %arg8[%get3A_237, %get3A_238] {strides = array<i32>} : memref<128x32xf32, #tpu.memory_space<vmem>>, vector<16xf32>,
        %get3A_240 = arith.index_cast %add3A_236 : i32 to index
        %get3A_241 = arith.constant 16 : index
        %get3A_242 = tpu.vector_load %arg8[%get3A_240, %get3A_241] {strides = array<i32>} : memref<128x32xf32, #tpu.memory_space<vmem>>, vector<16xf32>,
        %get3A_243 = arith.index_cast %add3A_236 : i32 to index
        %get3A_244 = arith.constant 0 : index
        %get3A_245 = tpu.vector_load %arg10[%get3A_243, %get3A_244] {strides = array<i32>} : memref<128x32xf32, #tpu.memory_space<vmem>>, vector<16xf32>,
        %get3A_246 = arith.index_cast %add3A_236 : i32 to index
        %get3A_247 = arith.constant 16 : index
        %get3A_248 = tpu.vector_load %arg10[%get3A_246, %get3A_247] {strides = array<i32>} : memref<128x32xf32, #tpu.memory_space<vmem>>, vector<16xf32>,
        %mul3A_249 = arith.mulf %get3A_239, %get3A_248 : vector<16xf32>
        %reduce_sum3A_250 = arith.constant true
        %reduce_sum3A_251 = vector.broadcast %reduce_sum3A_250 : i1 to vector<16xi1>
        %reduce_sum3A_252 = tpu.scan <sum>, %mul3A_249 masked %reduce_sum3A_251 : vector<16xf32>, vector<16xi1> -> vector<16xf32>
        %reduce_sum3A_253 = vector.extract %reduce_sum3A_252[15] : f32 from vector<16xf32>
        %mul3A_254 = arith.mulf %get3A_245, %get3A_242 : vector<16xf32>
        %reduce_sum3A_255 = arith.constant true
        %reduce_sum3A_256 = vector.broadcast %reduce_sum3A_255 : i1 to vector<16xi1>
        %reduce_sum3A_257 = tpu.scan <sum>, %mul3A_254 masked %reduce_sum3A_256 : vector<16xf32>, vector<16xi1> -> vector<16xf32>
        %reduce_sum3A_258 = vector.extract %reduce_sum3A_257[15] : f32 from vector<16xf32>
        %eq3A_259 = arith.constant 4 : i32
        %eq3A_260 = vector.broadcast %eq3A_259 : i32 to vector<16xi32>
        %eq3A_261 = arith.cmpi eq, %iota3A, %eq3A_260 : vector<16xi32>
        %broadcast_in_dim3A_262 = vector.broadcast %reduce_sum3A_253 : f32 to vector<16xf32>
        %select_n3A_263 = arith.select %eq3A_261, %broadcast_in_dim3A_262, %select_n3A_230 : vector<16xi1>, vector<16xf32>
        %broadcast_in_dim3A_264 = vector.broadcast %reduce_sum3A_258 : f32 to vector<16xf32>
        %select_n3A_265 = arith.select %eq3A_261, %broadcast_in_dim3A_264, %select_n3A_232 : vector<16xi1>, vector<16xf32>
        %mul3A_266 = arith.constant 16 : i32
        %mul3A_267 = arith.muli %scan3A_101, %mul3A_266 : i32
        %add3A_268 = arith.constant 5 : i32
        %add3A_269 = arith.addi %mul3A_267, %add3A_268 : i32
        %get3A_270 = arith.index_cast %add3A_269 : i32 to index
        %get3A_271 = arith.constant 0 : index
        %get3A_272 = tpu.vector_load %arg8[%get3A_270, %get3A_271] {strides = array<i32>} : memref<128x32xf32, #tpu.memory_space<vmem>>, vector<16xf32>,
        %get3A_273 = arith.index_cast %add3A_269 : i32 to index
        %get3A_274 = arith.constant 16 : index
        %get3A_275 = tpu.vector_load %arg8[%get3A_273, %get3A_274] {strides = array<i32>} : memref<128x32xf32, #tpu.memory_space<vmem>>, vector<16xf32>,
        %get3A_276 = arith.index_cast %add3A_269 : i32 to index
        %get3A_277 = arith.constant 0 : index
        %get3A_278 = tpu.vector_load %arg10[%get3A_276, %get3A_277] {strides = array<i32>} : memref<128x32xf32, #tpu.memory_space<vmem>>, vector<16xf32>,
        %get3A_279 = arith.index_cast %add3A_269 : i32 to index
        %get3A_280 = arith.constant 16 : index
        %get3A_281 = tpu.vector_load %arg10[%get3A_279, %get3A_280] {strides = array<i32>} : memref<128x32xf32, #tpu.memory_space<vmem>>, vector<16xf32>,
        %mul3A_282 = arith.mulf %get3A_272, %get3A_281 : vector<16xf32>
        %reduce_sum3A_283 = arith.constant true
        %reduce_sum3A_284 = vector.broadcast %reduce_sum3A_283 : i1 to vector<16xi1>
        %reduce_sum3A_285 = tpu.scan <sum>, %mul3A_282 masked %reduce_sum3A_284 : vector<16xf32>, vector<16xi1> -> vector<16xf32>
        %reduce_sum3A_286 = vector.extract %reduce_sum3A_285[15] : f32 from vector<16xf32>
        %mul3A_287 = arith.mulf %get3A_278, %get3A_275 : vector<16xf32>
        %reduce_sum3A_288 = arith.constant true
        %reduce_sum3A_289 = vector.broadcast %reduce_sum3A_288 : i1 to vector<16xi1>
        %reduce_sum3A_290 = tpu.scan <sum>, %mul3A_287 masked %reduce_sum3A_289 : vector<16xf32>, vector<16xi1> -> vector<16xf32>
        %reduce_sum3A_291 = vector.extract %reduce_sum3A_290[15] : f32 from vector<16xf32>
        %eq3A_292 = arith.constant 5 : i32
        %eq3A_293 = vector.broadcast %eq3A_292 : i32 to vector<16xi32>
        %eq3A_294 = arith.cmpi eq, %iota3A, %eq3A_293 : vector<16xi32>
        %broadcast_in_dim3A_295 = vector.broadcast %reduce_sum3A_286 : f32 to vector<16xf32>
        %select_n3A_296 = arith.select %eq3A_294, %broadcast_in_dim3A_295, %select_n3A_263 : vector<16xi1>, vector<16xf32>
        %broadcast_in_dim3A_297 = vector.broadcast %reduce_sum3A_291 : f32 to vector<16xf32>
        %select_n3A_298 = arith.select %eq3A_294, %broadcast_in_dim3A_297, %select_n3A_265 : vector<16xi1>, vector<16xf32>
        %mul3A_299 = arith.constant 16 : i32
        %mul3A_300 = arith.muli %scan3A_101, %mul3A_299 : i32
        %add3A_301 = arith.constant 6 : i32
        %add3A_302 = arith.addi %mul3A_300, %add3A_301 : i32
        %get3A_303 = arith.index_cast %add3A_302 : i32 to index
        %get3A_304 = arith.constant 0 : index
        %get3A_305 = tpu.vector_load %arg8[%get3A_303, %get3A_304] {strides = array<i32>} : memref<128x32xf32, #tpu.memory_space<vmem>>, vector<16xf32>,
        %get3A_306 = arith.index_cast %add3A_302 : i32 to index
        %get3A_307 = arith.constant 16 : index
        %get3A_308 = tpu.vector_load %arg8[%get3A_306, %get3A_307] {strides = array<i32>} : memref<128x32xf32, #tpu.memory_space<vmem>>, vector<16xf32>,
        %get3A_309 = arith.index_cast %add3A_302 : i32 to index
        %get3A_310 = arith.constant 0 : index
        %get3A_311 = tpu.vector_load %arg10[%get3A_309, %get3A_310] {strides = array<i32>} : memref<128x32xf32, #tpu.memory_space<vmem>>, vector<16xf32>,
        %get3A_312 = arith.index_cast %add3A_302 : i32 to index
        %get3A_313 = arith.constant 16 : index
        %get3A_314 = tpu.vector_load %arg10[%get3A_312, %get3A_313] {strides = array<i32>} : memref<128x32xf32, #tpu.memory_space<vmem>>, vector<16xf32>,
        %mul3A_315 = arith.mulf %get3A_305, %get3A_314 : vector<16xf32>
        %reduce_sum3A_316 = arith.constant true
        %reduce_sum3A_317 = vector.broadcast %reduce_sum3A_316 : i1 to vector<16xi1>
        %reduce_sum3A_318 = tpu.scan <sum>, %mul3A_315 masked %reduce_sum3A_317 : vector<16xf32>, vector<16xi1> -> vector<16xf32>
        %reduce_sum3A_319 = vector.extract %reduce_sum3A_318[15] : f32 from vector<16xf32>
        %mul3A_320 = arith.mulf %get3A_311, %get3A_308 : vector<16xf32>
        %reduce_sum3A_321 = arith.constant true
        %reduce_sum3A_322 = vector.broadcast %reduce_sum3A_321 : i1 to vector<16xi1>
        %reduce_sum3A_323 = tpu.scan <sum>, %mul3A_320 masked %reduce_sum3A_322 : vector<16xf32>, vector<16xi1> -> vector<16xf32>
        %reduce_sum3A_324 = vector.extract %reduce_sum3A_323[15] : f32 from vector<16xf32>
        %eq3A_325 = arith.constant 6 : i32
        %eq3A_326 = vector.broadcast %eq3A_325 : i32 to vector<16xi32>
        %eq3A_327 = arith.cmpi eq, %iota3A, %eq3A_326 : vector<16xi32>
        %broadcast_in_dim3A_328 = vector.broadcast %reduce_sum3A_319 : f32 to vector<16xf32>
        %select_n3A_329 = arith.select %eq3A_327, %broadcast_in_dim3A_328, %select_n3A_296 : vector<16xi1>, vector<16xf32>
        %broadcast_in_dim3A_330 = vector.broadcast %reduce_sum3A_324 : f32 to vector<16xf32>
        %select_n3A_331 = arith.select %eq3A_327, %broadcast_in_dim3A_330, %select_n3A_298 : vector<16xi1>, vector<16xf32>
        %mul3A_332 = arith.constant 16 : i32
        %mul3A_333 = arith.muli %scan3A_101, %mul3A_332 : i32
        %add3A_334 = arith.constant 7 : i32
        %add3A_335 = arith.addi %mul3A_333, %add3A_334 : i32
        %get3A_336 = arith.index_cast %add3A_335 : i32 to index
        %get3A_337 = arith.constant 0 : index
        %get3A_338 = tpu.vector_load %arg8[%get3A_336, %get3A_337] {strides = array<i32>} : memref<128x32xf32, #tpu.memory_space<vmem>>, vector<16xf32>,
        %get3A_339 = arith.index_cast %add3A_335 : i32 to index
        %get3A_340 = arith.constant 16 : index
        %get3A_341 = tpu.vector_load %arg8[%get3A_339, %get3A_340] {strides = array<i32>} : memref<128x32xf32, #tpu.memory_space<vmem>>, vector<16xf32>,
        %get3A_342 = arith.index_cast %add3A_335 : i32 to index
        %get3A_343 = arith.constant 0 : index
        %get3A_344 = tpu.vector_load %arg10[%get3A_342, %get3A_343] {strides = array<i32>} : memref<128x32xf32, #tpu.memory_space<vmem>>, vector<16xf32>,
        %get3A_345 = arith.index_cast %add3A_335 : i32 to index
        %get3A_346 = arith.constant 16 : index
        %get3A_347 = tpu.vector_load %arg10[%get3A_345, %get3A_346] {strides = array<i32>} : memref<128x32xf32, #tpu.memory_space<vmem>>, vector<16xf32>,
        %mul3A_348 = arith.mulf %get3A_338, %get3A_347 : vector<16xf32>
        %reduce_sum3A_349 = arith.constant true
        %reduce_sum3A_350 = vector.broadcast %reduce_sum3A_349 : i1 to vector<16xi1>
        %reduce_sum3A_351 = tpu.scan <sum>, %mul3A_348 masked %reduce_sum3A_350 : vector<16xf32>, vector<16xi1> -> vector<16xf32>
        %reduce_sum3A_352 = vector.extract %reduce_sum3A_351[15] : f32 from vector<16xf32>
        %mul3A_353 = arith.mulf %get3A_344, %get3A_341 : vector<16xf32>
        %reduce_sum3A_354 = arith.constant true
        %reduce_sum3A_355 = vector.broadcast %reduce_sum3A_354 : i1 to vector<16xi1>
        %reduce_sum3A_356 = tpu.scan <sum>, %mul3A_353 masked %reduce_sum3A_355 : vector<16xf32>, vector<16xi1> -> vector<16xf32>
        %reduce_sum3A_357 = vector.extract %reduce_sum3A_356[15] : f32 from vector<16xf32>
        %eq3A_358 = arith.constant 7 : i32
        %eq3A_359 = vector.broadcast %eq3A_358 : i32 to vector<16xi32>
        %eq3A_360 = arith.cmpi eq, %iota3A, %eq3A_359 : vector<16xi32>
        %broadcast_in_dim3A_361 = vector.broadcast %reduce_sum3A_352 : f32 to vector<16xf32>
        %select_n3A_362 = arith.select %eq3A_360, %broadcast_in_dim3A_361, %select_n3A_329 : vector<16xi1>, vector<16xf32>
        %broadcast_in_dim3A_363 = vector.broadcast %reduce_sum3A_357 : f32 to vector<16xf32>
        %select_n3A_364 = arith.select %eq3A_360, %broadcast_in_dim3A_363, %select_n3A_331 : vector<16xi1>, vector<16xf32>
        %mul3A_365 = arith.constant 16 : i32
        %mul3A_366 = arith.muli %scan3A_101, %mul3A_365 : i32
        %add3A_367 = arith.constant 8 : i32
        %add3A_368 = arith.addi %mul3A_366, %add3A_367 : i32
        %get3A_369 = arith.index_cast %add3A_368 : i32 to index
        %get3A_370 = arith.constant 0 : index
        %get3A_371 = tpu.vector_load %arg8[%get3A_369, %get3A_370] {strides = array<i32>} : memref<128x32xf32, #tpu.memory_space<vmem>>, vector<16xf32>,
        %get3A_372 = arith.index_cast %add3A_368 : i32 to index
        %get3A_373 = arith.constant 16 : index
        %get3A_374 = tpu.vector_load %arg8[%get3A_372, %get3A_373] {strides = array<i32>} : memref<128x32xf32, #tpu.memory_space<vmem>>, vector<16xf32>,
        %get3A_375 = arith.index_cast %add3A_368 : i32 to index
        %get3A_376 = arith.constant 0 : index
        %get3A_377 = tpu.vector_load %arg10[%get3A_375, %get3A_376] {strides = array<i32>} : memref<128x32xf32, #tpu.memory_space<vmem>>, vector<16xf32>,
        %get3A_378 = arith.index_cast %add3A_368 : i32 to index
        %get3A_379 = arith.constant 16 : index
        %get3A_380 = tpu.vector_load %arg10[%get3A_378, %get3A_379] {strides = array<i32>} : memref<128x32xf32, #tpu.memory_space<vmem>>, vector<16xf32>,
        %mul3A_381 = arith.mulf %get3A_371, %get3A_380 : vector<16xf32>
        %reduce_sum3A_382 = arith.constant true
        %reduce_sum3A_383 = vector.broadcast %reduce_sum3A_382 : i1 to vector<16xi1>
        %reduce_sum3A_384 = tpu.scan <sum>, %mul3A_381 masked %reduce_sum3A_383 : vector<16xf32>, vector<16xi1> -> vector<16xf32>
        %reduce_sum3A_385 = vector.extract %reduce_sum3A_384[15] : f32 from vector<16xf32>
        %mul3A_386 = arith.mulf %get3A_377, %get3A_374 : vector<16xf32>
        %reduce_sum3A_387 = arith.constant true
        %reduce_sum3A_388 = vector.broadcast %reduce_sum3A_387 : i1 to vector<16xi1>
        %reduce_sum3A_389 = tpu.scan <sum>, %mul3A_386 masked %reduce_sum3A_388 : vector<16xf32>, vector<16xi1> -> vector<16xf32>
        %reduce_sum3A_390 = vector.extract %reduce_sum3A_389[15] : f32 from vector<16xf32>
        %eq3A_391 = arith.constant 8 : i32
        %eq3A_392 = vector.broadcast %eq3A_391 : i32 to vector<16xi32>
        %eq3A_393 = arith.cmpi eq, %iota3A, %eq3A_392 : vector<16xi32>
        %broadcast_in_dim3A_394 = vector.broadcast %reduce_sum3A_385 : f32 to vector<16xf32>
        %select_n3A_395 = arith.select %eq3A_393, %broadcast_in_dim3A_394, %select_n3A_362 : vector<16xi1>, vector<16xf32>
        %broadcast_in_dim3A_396 = vector.broadcast %reduce_sum3A_390 : f32 to vector<16xf32>
        %select_n3A_397 = arith.select %eq3A_393, %broadcast_in_dim3A_396, %select_n3A_364 : vector<16xi1>, vector<16xf32>
        %mul3A_398 = arith.constant 16 : i32
        %mul3A_399 = arith.muli %scan3A_101, %mul3A_398 : i32
        %add3A_400 = arith.constant 9 : i32
        %add3A_401 = arith.addi %mul3A_399, %add3A_400 : i32
        %get3A_402 = arith.index_cast %add3A_401 : i32 to index
        %get3A_403 = arith.constant 0 : index
        %get3A_404 = tpu.vector_load %arg8[%get3A_402, %get3A_403] {strides = array<i32>} : memref<128x32xf32, #tpu.memory_space<vmem>>, vector<16xf32>,
        %get3A_405 = arith.index_cast %add3A_401 : i32 to index
        %get3A_406 = arith.constant 16 : index
        %get3A_407 = tpu.vector_load %arg8[%get3A_405, %get3A_406] {strides = array<i32>} : memref<128x32xf32, #tpu.memory_space<vmem>>, vector<16xf32>,
        %get3A_408 = arith.index_cast %add3A_401 : i32 to index
        %get3A_409 = arith.constant 0 : index
        %get3A_410 = tpu.vector_load %arg10[%get3A_408, %get3A_409] {strides = array<i32>} : memref<128x32xf32, #tpu.memory_space<vmem>>, vector<16xf32>,
        %get3A_411 = arith.index_cast %add3A_401 : i32 to index
        %get3A_412 = arith.constant 16 : index
        %get3A_413 = tpu.vector_load %arg10[%get3A_411, %get3A_412] {strides = array<i32>} : memref<128x32xf32, #tpu.memory_space<vmem>>, vector<16xf32>,
        %mul3A_414 = arith.mulf %get3A_404, %get3A_413 : vector<16xf32>
        %reduce_sum3A_415 = arith.constant true
        %reduce_sum3A_416 = vector.broadcast %reduce_sum3A_415 : i1 to vector<16xi1>
        %reduce_sum3A_417 = tpu.scan <sum>, %mul3A_414 masked %reduce_sum3A_416 : vector<16xf32>, vector<16xi1> -> vector<16xf32>
        %reduce_sum3A_418 = vector.extract %reduce_sum3A_417[15] : f32 from vector<16xf32>
        %mul3A_419 = arith.mulf %get3A_410, %get3A_407 : vector<16xf32>
        %reduce_sum3A_420 = arith.constant true
        %reduce_sum3A_421 = vector.broadcast %reduce_sum3A_420 : i1 to vector<16xi1>
        %reduce_sum3A_422 = tpu.scan <sum>, %mul3A_419 masked %reduce_sum3A_421 : vector<16xf32>, vector<16xi1> -> vector<16xf32>
        %reduce_sum3A_423 = vector.extract %reduce_sum3A_422[15] : f32 from vector<16xf32>
        %eq3A_424 = arith.constant 9 : i32
        %eq3A_425 = vector.broadcast %eq3A_424 : i32 to vector<16xi32>
        %eq3A_426 = arith.cmpi eq, %iota3A, %eq3A_425 : vector<16xi32>
        %broadcast_in_dim3A_427 = vector.broadcast %reduce_sum3A_418 : f32 to vector<16xf32>
        %select_n3A_428 = arith.select %eq3A_426, %broadcast_in_dim3A_427, %select_n3A_395 : vector<16xi1>, vector<16xf32>
        %broadcast_in_dim3A_429 = vector.broadcast %reduce_sum3A_423 : f32 to vector<16xf32>
        %select_n3A_430 = arith.select %eq3A_426, %broadcast_in_dim3A_429, %select_n3A_397 : vector<16xi1>, vector<16xf32>
        %mul3A_431 = arith.constant 16 : i32
        %mul3A_432 = arith.muli %scan3A_101, %mul3A_431 : i32
        %add3A_433 = arith.constant 10 : i32
        %add3A_434 = arith.addi %mul3A_432, %add3A_433 : i32
        %get3A_435 = arith.index_cast %add3A_434 : i32 to index
        %get3A_436 = arith.constant 0 : index
        %get3A_437 = tpu.vector_load %arg8[%get3A_435, %get3A_436] {strides = array<i32>} : memref<128x32xf32, #tpu.memory_space<vmem>>, vector<16xf32>,
        %get3A_438 = arith.index_cast %add3A_434 : i32 to index
        %get3A_439 = arith.constant 16 : index
        %get3A_440 = tpu.vector_load %arg8[%get3A_438, %get3A_439] {strides = array<i32>} : memref<128x32xf32, #tpu.memory_space<vmem>>, vector<16xf32>,
        %get3A_441 = arith.index_cast %add3A_434 : i32 to index
        %get3A_442 = arith.constant 0 : index
        %get3A_443 = tpu.vector_load %arg10[%get3A_441, %get3A_442] {strides = array<i32>} : memref<128x32xf32, #tpu.memory_space<vmem>>, vector<16xf32>,
        %get3A_444 = arith.index_cast %add3A_434 : i32 to index
        %get3A_445 = arith.constant 16 : index
        %get3A_446 = tpu.vector_load %arg10[%get3A_444, %get3A_445] {strides = array<i32>} : memref<128x32xf32, #tpu.memory_space<vmem>>, vector<16xf32>,
        %mul3A_447 = arith.mulf %get3A_437, %get3A_446 : vector<16xf32>
        %reduce_sum3A_448 = arith.constant true
        %reduce_sum3A_449 = vector.broadcast %reduce_sum3A_448 : i1 to vector<16xi1>
        %reduce_sum3A_450 = tpu.scan <sum>, %mul3A_447 masked %reduce_sum3A_449 : vector<16xf32>, vector<16xi1> -> vector<16xf32>
        %reduce_sum3A_451 = vector.extract %reduce_sum3A_450[15] : f32 from vector<16xf32>
        %mul3A_452 = arith.mulf %get3A_443, %get3A_440 : vector<16xf32>
        %reduce_sum3A_453 = arith.constant true
        %reduce_sum3A_454 = vector.broadcast %reduce_sum3A_453 : i1 to vector<16xi1>
        %reduce_sum3A_455 = tpu.scan <sum>, %mul3A_452 masked %reduce_sum3A_454 : vector<16xf32>, vector<16xi1> -> vector<16xf32>
        %reduce_sum3A_456 = vector.extract %reduce_sum3A_455[15] : f32 from vector<16xf32>
        %eq3A_457 = arith.constant 10 : i32
        %eq3A_458 = vector.broadcast %eq3A_457 : i32 to vector<16xi32>
        %eq3A_459 = arith.cmpi eq, %iota3A, %eq3A_458 : vector<16xi32>
        %broadcast_in_dim3A_460 = vector.broadcast %reduce_sum3A_451 : f32 to vector<16xf32>
        %select_n3A_461 = arith.select %eq3A_459, %broadcast_in_dim3A_460, %select_n3A_428 : vector<16xi1>, vector<16xf32>
        %broadcast_in_dim3A_462 = vector.broadcast %reduce_sum3A_456 : f32 to vector<16xf32>
        %select_n3A_463 = arith.select %eq3A_459, %broadcast_in_dim3A_462, %select_n3A_430 : vector<16xi1>, vector<16xf32>
        %mul3A_464 = arith.constant 16 : i32
        %mul3A_465 = arith.muli %scan3A_101, %mul3A_464 : i32
        %add3A_466 = arith.constant 11 : i32
        %add3A_467 = arith.addi %mul3A_465, %add3A_466 : i32
        %get3A_468 = arith.index_cast %add3A_467 : i32 to index
        %get3A_469 = arith.constant 0 : index
        %get3A_470 = tpu.vector_load %arg8[%get3A_468, %get3A_469] {strides = array<i32>} : memref<128x32xf32, #tpu.memory_space<vmem>>, vector<16xf32>,
        %get3A_471 = arith.index_cast %add3A_467 : i32 to index
        %get3A_472 = arith.constant 16 : index
        %get3A_473 = tpu.vector_load %arg8[%get3A_471, %get3A_472] {strides = array<i32>} : memref<128x32xf32, #tpu.memory_space<vmem>>, vector<16xf32>,
        %get3A_474 = arith.index_cast %add3A_467 : i32 to index
        %get3A_475 = arith.constant 0 : index
        %get3A_476 = tpu.vector_load %arg10[%get3A_474, %get3A_475] {strides = array<i32>} : memref<128x32xf32, #tpu.memory_space<vmem>>, vector<16xf32>,
        %get3A_477 = arith.index_cast %add3A_467 : i32 to index
        %get3A_478 = arith.constant 16 : index
        %get3A_479 = tpu.vector_load %arg10[%get3A_477, %get3A_478] {strides = array<i32>} : memref<128x32xf32, #tpu.memory_space<vmem>>, vector<16xf32>,
        %mul3A_480 = arith.mulf %get3A_470, %get3A_479 : vector<16xf32>
        %reduce_sum3A_481 = arith.constant true
        %reduce_sum3A_482 = vector.broadcast %reduce_sum3A_481 : i1 to vector<16xi1>
        %reduce_sum3A_483 = tpu.scan <sum>, %mul3A_480 masked %reduce_sum3A_482 : vector<16xf32>, vector<16xi1> -> vector<16xf32>
        %reduce_sum3A_484 = vector.extract %reduce_sum3A_483[15] : f32 from vector<16xf32>
        %mul3A_485 = arith.mulf %get3A_476, %get3A_473 : vector<16xf32>
        %reduce_sum3A_486 = arith.constant true
        %reduce_sum3A_487 = vector.broadcast %reduce_sum3A_486 : i1 to vector<16xi1>
        %reduce_sum3A_488 = tpu.scan <sum>, %mul3A_485 masked %reduce_sum3A_487 : vector<16xf32>, vector<16xi1> -> vector<16xf32>
        %reduce_sum3A_489 = vector.extract %reduce_sum3A_488[15] : f32 from vector<16xf32>
        %eq3A_490 = arith.constant 11 : i32
        %eq3A_491 = vector.broadcast %eq3A_490 : i32 to vector<16xi32>
        %eq3A_492 = arith.cmpi eq, %iota3A, %eq3A_491 : vector<16xi32>
        %broadcast_in_dim3A_493 = vector.broadcast %reduce_sum3A_484 : f32 to vector<16xf32>
        %select_n3A_494 = arith.select %eq3A_492, %broadcast_in_dim3A_493, %select_n3A_461 : vector<16xi1>, vector<16xf32>
        %broadcast_in_dim3A_495 = vector.broadcast %reduce_sum3A_489 : f32 to vector<16xf32>
        %select_n3A_496 = arith.select %eq3A_492, %broadcast_in_dim3A_495, %select_n3A_463 : vector<16xi1>, vector<16xf32>
        %mul3A_497 = arith.constant 16 : i32
        %mul3A_498 = arith.muli %scan3A_101, %mul3A_497 : i32
        %add3A_499 = arith.constant 12 : i32
        %add3A_500 = arith.addi %mul3A_498, %add3A_499 : i32
        %get3A_501 = arith.index_cast %add3A_500 : i32 to index
        %get3A_502 = arith.constant 0 : index
        %get3A_503 = tpu.vector_load %arg8[%get3A_501, %get3A_502] {strides = array<i32>} : memref<128x32xf32, #tpu.memory_space<vmem>>, vector<16xf32>,
        %get3A_504 = arith.index_cast %add3A_500 : i32 to index
        %get3A_505 = arith.constant 16 : index
        %get3A_506 = tpu.vector_load %arg8[%get3A_504, %get3A_505] {strides = array<i32>} : memref<128x32xf32, #tpu.memory_space<vmem>>, vector<16xf32>,
        %get3A_507 = arith.index_cast %add3A_500 : i32 to index
        %get3A_508 = arith.constant 0 : index
        %get3A_509 = tpu.vector_load %arg10[%get3A_507, %get3A_508] {strides = array<i32>} : memref<128x32xf32, #tpu.memory_space<vmem>>, vector<16xf32>,
        %get3A_510 = arith.index_cast %add3A_500 : i32 to index
        %get3A_511 = arith.constant 16 : index
        %get3A_512 = tpu.vector_load %arg10[%get3A_510, %get3A_511] {strides = array<i32>} : memref<128x32xf32, #tpu.memory_space<vmem>>, vector<16xf32>,
        %mul3A_513 = arith.mulf %get3A_503, %get3A_512 : vector<16xf32>
        %reduce_sum3A_514 = arith.constant true
        %reduce_sum3A_515 = vector.broadcast %reduce_sum3A_514 : i1 to vector<16xi1>
        %reduce_sum3A_516 = tpu.scan <sum>, %mul3A_513 masked %reduce_sum3A_515 : vector<16xf32>, vector<16xi1> -> vector<16xf32>
        %reduce_sum3A_517 = vector.extract %reduce_sum3A_516[15] : f32 from vector<16xf32>
        %mul3A_518 = arith.mulf %get3A_509, %get3A_506 : vector<16xf32>
        %reduce_sum3A_519 = arith.constant true
        %reduce_sum3A_520 = vector.broadcast %reduce_sum3A_519 : i1 to vector<16xi1>
        %reduce_sum3A_521 = tpu.scan <sum>, %mul3A_518 masked %reduce_sum3A_520 : vector<16xf32>, vector<16xi1> -> vector<16xf32>
        %reduce_sum3A_522 = vector.extract %reduce_sum3A_521[15] : f32 from vector<16xf32>
        %eq3A_523 = arith.constant 12 : i32
        %eq3A_524 = vector.broadcast %eq3A_523 : i32 to vector<16xi32>
        %eq3A_525 = arith.cmpi eq, %iota3A, %eq3A_524 : vector<16xi32>
        %broadcast_in_dim3A_526 = vector.broadcast %reduce_sum3A_517 : f32 to vector<16xf32>
        %select_n3A_527 = arith.select %eq3A_525, %broadcast_in_dim3A_526, %select_n3A_494 : vector<16xi1>, vector<16xf32>
        %broadcast_in_dim3A_528 = vector.broadcast %reduce_sum3A_522 : f32 to vector<16xf32>
        %select_n3A_529 = arith.select %eq3A_525, %broadcast_in_dim3A_528, %select_n3A_496 : vector<16xi1>, vector<16xf32>
        %mul3A_530 = arith.constant 16 : i32
        %mul3A_531 = arith.muli %scan3A_101, %mul3A_530 : i32
        %add3A_532 = arith.constant 13 : i32
        %add3A_533 = arith.addi %mul3A_531, %add3A_532 : i32
        %get3A_534 = arith.index_cast %add3A_533 : i32 to index
        %get3A_535 = arith.constant 0 : index
        %get3A_536 = tpu.vector_load %arg8[%get3A_534, %get3A_535] {strides = array<i32>} : memref<128x32xf32, #tpu.memory_space<vmem>>, vector<16xf32>,
        %get3A_537 = arith.index_cast %add3A_533 : i32 to index
        %get3A_538 = arith.constant 16 : index
        %get3A_539 = tpu.vector_load %arg8[%get3A_537, %get3A_538] {strides = array<i32>} : memref<128x32xf32, #tpu.memory_space<vmem>>, vector<16xf32>,
        %get3A_540 = arith.index_cast %add3A_533 : i32 to index
        %get3A_541 = arith.constant 0 : index
        %get3A_542 = tpu.vector_load %arg10[%get3A_540, %get3A_541] {strides = array<i32>} : memref<128x32xf32, #tpu.memory_space<vmem>>, vector<16xf32>,
        %get3A_543 = arith.index_cast %add3A_533 : i32 to index
        %get3A_544 = arith.constant 16 : index
        %get3A_545 = tpu.vector_load %arg10[%get3A_543, %get3A_544] {strides = array<i32>} : memref<128x32xf32, #tpu.memory_space<vmem>>, vector<16xf32>,
        %mul3A_546 = arith.mulf %get3A_536, %get3A_545 : vector<16xf32>
        %reduce_sum3A_547 = arith.constant true
        %reduce_sum3A_548 = vector.broadcast %reduce_sum3A_547 : i1 to vector<16xi1>
        %reduce_sum3A_549 = tpu.scan <sum>, %mul3A_546 masked %reduce_sum3A_548 : vector<16xf32>, vector<16xi1> -> vector<16xf32>
        %reduce_sum3A_550 = vector.extract %reduce_sum3A_549[15] : f32 from vector<16xf32>
        %mul3A_551 = arith.mulf %get3A_542, %get3A_539 : vector<16xf32>
        %reduce_sum3A_552 = arith.constant true
        %reduce_sum3A_553 = vector.broadcast %reduce_sum3A_552 : i1 to vector<16xi1>
        %reduce_sum3A_554 = tpu.scan <sum>, %mul3A_551 masked %reduce_sum3A_553 : vector<16xf32>, vector<16xi1> -> vector<16xf32>
        %reduce_sum3A_555 = vector.extract %reduce_sum3A_554[15] : f32 from vector<16xf32>
        %eq3A_556 = arith.constant 13 : i32
        %eq3A_557 = vector.broadcast %eq3A_556 : i32 to vector<16xi32>
        %eq3A_558 = arith.cmpi eq, %iota3A, %eq3A_557 : vector<16xi32>
        %broadcast_in_dim3A_559 = vector.broadcast %reduce_sum3A_550 : f32 to vector<16xf32>
        %select_n3A_560 = arith.select %eq3A_558, %broadcast_in_dim3A_559, %select_n3A_527 : vector<16xi1>, vector<16xf32>
        %broadcast_in_dim3A_561 = vector.broadcast %reduce_sum3A_555 : f32 to vector<16xf32>
        %select_n3A_562 = arith.select %eq3A_558, %broadcast_in_dim3A_561, %select_n3A_529 : vector<16xi1>, vector<16xf32>
        %mul3A_563 = arith.constant 16 : i32
        %mul3A_564 = arith.muli %scan3A_101, %mul3A_563 : i32
        %add3A_565 = arith.constant 14 : i32
        %add3A_566 = arith.addi %mul3A_564, %add3A_565 : i32
        %get3A_567 = arith.index_cast %add3A_566 : i32 to index
        %get3A_568 = arith.constant 0 : index
        %get3A_569 = tpu.vector_load %arg8[%get3A_567, %get3A_568] {strides = array<i32>} : memref<128x32xf32, #tpu.memory_space<vmem>>, vector<16xf32>,
        %get3A_570 = arith.index_cast %add3A_566 : i32 to index
        %get3A_571 = arith.constant 16 : index
        %get3A_572 = tpu.vector_load %arg8[%get3A_570, %get3A_571] {strides = array<i32>} : memref<128x32xf32, #tpu.memory_space<vmem>>, vector<16xf32>,
        %get3A_573 = arith.index_cast %add3A_566 : i32 to index
        %get3A_574 = arith.constant 0 : index
        %get3A_575 = tpu.vector_load %arg10[%get3A_573, %get3A_574] {strides = array<i32>} : memref<128x32xf32, #tpu.memory_space<vmem>>, vector<16xf32>,
        %get3A_576 = arith.index_cast %add3A_566 : i32 to index
        %get3A_577 = arith.constant 16 : index
        %get3A_578 = tpu.vector_load %arg10[%get3A_576, %get3A_577] {strides = array<i32>} : memref<128x32xf32, #tpu.memory_space<vmem>>, vector<16xf32>,
        %mul3A_579 = arith.mulf %get3A_569, %get3A_578 : vector<16xf32>
        %reduce_sum3A_580 = arith.constant true
        %reduce_sum3A_581 = vector.broadcast %reduce_sum3A_580 : i1 to vector<16xi1>
        %reduce_sum3A_582 = tpu.scan <sum>, %mul3A_579 masked %reduce_sum3A_581 : vector<16xf32>, vector<16xi1> -> vector<16xf32>
        %reduce_sum3A_583 = vector.extract %reduce_sum3A_582[15] : f32 from vector<16xf32>
        %mul3A_584 = arith.mulf %get3A_575, %get3A_572 : vector<16xf32>
        %reduce_sum3A_585 = arith.constant true
        %reduce_sum3A_586 = vector.broadcast %reduce_sum3A_585 : i1 to vector<16xi1>
        %reduce_sum3A_587 = tpu.scan <sum>, %mul3A_584 masked %reduce_sum3A_586 : vector<16xf32>, vector<16xi1> -> vector<16xf32>
        %reduce_sum3A_588 = vector.extract %reduce_sum3A_587[15] : f32 from vector<16xf32>
        %eq3A_589 = arith.constant 14 : i32
        %eq3A_590 = vector.broadcast %eq3A_589 : i32 to vector<16xi32>
        %eq3A_591 = arith.cmpi eq, %iota3A, %eq3A_590 : vector<16xi32>
        %broadcast_in_dim3A_592 = vector.broadcast %reduce_sum3A_583 : f32 to vector<16xf32>
        %select_n3A_593 = arith.select %eq3A_591, %broadcast_in_dim3A_592, %select_n3A_560 : vector<16xi1>, vector<16xf32>
        %broadcast_in_dim3A_594 = vector.broadcast %reduce_sum3A_588 : f32 to vector<16xf32>
        %select_n3A_595 = arith.select %eq3A_591, %broadcast_in_dim3A_594, %select_n3A_562 : vector<16xi1>, vector<16xf32>
        %mul3A_596 = arith.constant 16 : i32
        %mul3A_597 = arith.muli %scan3A_101, %mul3A_596 : i32
        %add3A_598 = arith.constant 15 : i32
        %add3A_599 = arith.addi %mul3A_597, %add3A_598 : i32
        %get3A_600 = arith.index_cast %add3A_599 : i32 to index
        %get3A_601 = arith.constant 0 : index
        %get3A_602 = tpu.vector_load %arg8[%get3A_600, %get3A_601] {strides = array<i32>} : memref<128x32xf32, #tpu.memory_space<vmem>>, vector<16xf32>,
        %get3A_603 = arith.index_cast %add3A_599 : i32 to index
        %get3A_604 = arith.constant 16 : index
        %get3A_605 = tpu.vector_load %arg8[%get3A_603, %get3A_604] {strides = array<i32>} : memref<128x32xf32, #tpu.memory_space<vmem>>, vector<16xf32>,
        %get3A_606 = arith.index_cast %add3A_599 : i32 to index
        %get3A_607 = arith.constant 0 : index
        %get3A_608 = tpu.vector_load %arg10[%get3A_606, %get3A_607] {strides = array<i32>} : memref<128x32xf32, #tpu.memory_space<vmem>>, vector<16xf32>,
        %get3A_609 = arith.index_cast %add3A_599 : i32 to index
        %get3A_610 = arith.constant 16 : index
        %get3A_611 = tpu.vector_load %arg10[%get3A_609, %get3A_610] {strides = array<i32>} : memref<128x32xf32, #tpu.memory_space<vmem>>, vector<16xf32>,
        %mul3A_612 = arith.mulf %get3A_602, %get3A_611 : vector<16xf32>
        %reduce_sum3A_613 = arith.constant true
        %reduce_sum3A_614 = vector.broadcast %reduce_sum3A_613 : i1 to vector<16xi1>
        %reduce_sum3A_615 = tpu.scan <sum>, %mul3A_612 masked %reduce_sum3A_614 : vector<16xf32>, vector<16xi1> -> vector<16xf32>
        %reduce_sum3A_616 = vector.extract %reduce_sum3A_615[15] : f32 from vector<16xf32>
        %mul3A_617 = arith.mulf %get3A_608, %get3A_605 : vector<16xf32>
        %reduce_sum3A_618 = arith.constant true
        %reduce_sum3A_619 = vector.broadcast %reduce_sum3A_618 : i1 to vector<16xi1>
        %reduce_sum3A_620 = tpu.scan <sum>, %mul3A_617 masked %reduce_sum3A_619 : vector<16xf32>, vector<16xi1> -> vector<16xf32>
        %reduce_sum3A_621 = vector.extract %reduce_sum3A_620[15] : f32 from vector<16xf32>
        %eq3A_622 = arith.constant 15 : i32
        %eq3A_623 = vector.broadcast %eq3A_622 : i32 to vector<16xi32>
        %eq3A_624 = arith.cmpi eq, %iota3A, %eq3A_623 : vector<16xi32>
        %broadcast_in_dim3A_625 = vector.broadcast %reduce_sum3A_616 : f32 to vector<16xf32>
        %select_n3A_626 = arith.select %eq3A_624, %broadcast_in_dim3A_625, %select_n3A_593 : vector<16xi1>, vector<16xf32>
        %broadcast_in_dim3A_627 = vector.broadcast %reduce_sum3A_621 : f32 to vector<16xf32>
        %select_n3A_628 = arith.select %eq3A_624, %broadcast_in_dim3A_627, %select_n3A_595 : vector<16xi1>, vector<16xf32>
        %neg3A = arith.constant 0.000000e+00 : f32
        %neg3A_629 = vector.broadcast %neg3A : f32 to vector<16xf32>
        %neg3A_630 = arith.subf %neg3A_629, %select_n3A_626 : vector<16xf32>
        %exp3A = math.exp %neg3A_630 : vector<16xf32>
        %add3A_631 = arith.constant 1.000000e+00 : f32
        %add3A_632 = vector.broadcast %add3A_631 : f32 to vector<16xf32>
        %add3A_633 = arith.addf %add3A_632, %exp3A : vector<16xf32>
        %div3A = arith.constant 1.000000e+00 : f32
        %div3A_634 = vector.broadcast %div3A : f32 to vector<16xf32>
        %div3A_635 = arith.divf %div3A_634, %add3A_633 : vector<16xf32>
        %neg3A_636 = arith.constant 0.000000e+00 : f32
        %neg3A_637 = vector.broadcast %neg3A_636 : f32 to vector<16xf32>
        %neg3A_638 = arith.subf %neg3A_637, %select_n3A_628 : vector<16xf32>
        %exp3A_639 = math.exp %neg3A_638 : vector<16xf32>
        %add3A_640 = arith.constant 1.000000e+00 : f32
        %add3A_641 = vector.broadcast %add3A_640 : f32 to vector<16xf32>
        %add3A_642 = arith.addf %add3A_641, %exp3A_639 : vector<16xf32>
        %div3A_643 = arith.constant 1.000000e+00 : f32
        %div3A_644 = vector.broadcast %div3A_643 : f32 to vector<16xf32>
        %div3A_645 = arith.divf %div3A_644, %add3A_642 : vector<16xf32>
        %add3A_646 = arith.addf %div3A_635, %div3A_645 : vector<16xf32>
        %mul3A_647 = arith.constant 5.000000e-01 : f32
        %mul3A_648 = vector.broadcast %mul3A_647 : f32 to vector<16xf32>
        %mul3A_649 = arith.mulf %mul3A_648, %add3A_646 : vector<16xf32>
        %mul3A_650 = arith.constant 128 : i32
        %mul3A_651 = arith.muli %add3A_45, %mul3A_650 : i32
        %mul3A_652 = arith.constant 16 : i32
        %mul3A_653 = arith.muli %scan3A_101, %mul3A_652 : i32
        %add3A_654 = arith.addi %mul3A_651, %mul3A_653 : i32
        %swap3A = arith.index_cast %add3A_654 : i32 to index
        %swap3A_655 = tpu.vector_load %arg12[%swap3A] {strides = array<i32>} : memref<10240xf32, #tpu.memory_space<vmem>>, vector<16xf32>,
        tpu.vector_store %arg12[%swap3A], %mul3A_649 {strides = array<i32>} : memref<10240xf32, #tpu.memory_space<vmem>>, vector<16xf32>,
        %scan3A_656 = arith.constant 0 : i32
        scf.yield %scan3A_656 : i32
      }
      %scan3A_63 = arith.constant 8 : i32
      %add3A_64 = arith.constant 2 : i32
      %add3A_65 = arith.addi %add3A_45, %add3A_64 : i32
      %lt3A = arith.constant 80 : i32
      %lt3A_66 = arith.cmpi slt, %add3A_65, %lt3A : i32
      %convert_element_type3A_67 = arith.extui %lt3A_66 : i1 to i32
      %cond3A_68 = arith.constant 0 : i32
      %cond3A_69 = arith.cmpi ne, %convert_element_type3A_67, %cond3A_68 : i32
      scf.if %cond3A_69 {
        %add3A_101 = arith.constant 2 : i32
        %add3A_102 = arith.addi %add3A_45, %add3A_101 : i32
        %dma_start3A_103 = arith.constant 0 : i32
        %dma_start3A_104 = tpu.memref_slice %arg6[%add3A_102, %dma_start3A_103] : memref<80x128xi32, #tpu.memory_space<vmem>> -> memref<1x128xi32, #tpu.memory_space<vmem>>
        %dma_start3A_105 = tpu.memref_squeeze %dma_start3A_104 : memref<1x128xi32, #tpu.memory_space<vmem>> -> memref<128xi32, #tpu.memory_space<vmem>>
        %dma_start3A_106 = arith.constant 0 : i32
        %dma_start3A_107 = arith.constant 0 : i32
        %dma_start3A_108 = tpu.memref_slice %arg13[%dma_start3A_106, %dma_start3A_107] : memref<10000x32xf32, #tpu.memory_space<vmem_shared>> -> memref<10000x32xf32, #tpu.memory_space<vmem_shared>>
        tpu.enqueue_indirect_dma source(%dma_start3A_108 : memref<10000x32xf32, #tpu.memory_space<vmem_shared>>) target(%arg8 : memref<128x32xf32, #tpu.memory_space<vmem>>) offsets(%dma_start3A_105 : memref<128xi32, #tpu.memory_space<vmem>>) semaphore(%arg14 : memref<!tpu.dma_semaphore, #tpu.memory_space<semaphore_mem>>)
        %dma_start3A_109 = arith.constant 0 : i32
        %dma_start3A_110 = tpu.memref_slice %arg7[%add3A_102, %dma_start3A_109] : memref<80x128xi32, #tpu.memory_space<vmem>> -> memref<1x128xi32, #tpu.memory_space<vmem>>
        %dma_start3A_111 = tpu.memref_squeeze %dma_start3A_110 : memref<1x128xi32, #tpu.memory_space<vmem>> -> memref<128xi32, #tpu.memory_space<vmem>>
        %dma_start3A_112 = arith.constant 0 : i32
        %dma_start3A_113 = arith.constant 0 : i32
        %dma_start3A_114 = tpu.memref_slice %arg13[%dma_start3A_112, %dma_start3A_113] : memref<10000x32xf32, #tpu.memory_space<vmem_shared>> -> memref<10000x32xf32, #tpu.memory_space<vmem_shared>>
        tpu.enqueue_indirect_dma source(%dma_start3A_114 : memref<10000x32xf32, #tpu.memory_space<vmem_shared>>) target(%arg10 : memref<128x32xf32, #tpu.memory_space<vmem>>) offsets(%dma_start3A_111 : memref<128xi32, #tpu.memory_space<vmem>>) semaphore(%arg14 : memref<!tpu.dma_semaphore, #tpu.memory_space<semaphore_mem>>)
      } else {
      }
      %mul3A_70 = arith.constant 2 : i32
      %mul3A_71 = arith.muli %scan3A_40, %mul3A_70 : i32
      %add3A_72 = arith.constant 1 : i32
      %add3A_73 = arith.addi %mul3A_71, %add3A_72 : i32
      %dma_wait3A_74 = arith.constant 0 : i32
      %dma_wait3A_75 = arith.constant 0 : i32
      %dma_wait3A_76 = tpu.memref_slice %arg2[%dma_wait3A_74, %dma_wait3A_75] : memref<10000x32xf32, #tpu.memory_space<hbm>> -> memref<128x32xf32, #tpu.memory_space<hbm>>
      %dma_wait3A_77 = arith.constant 0 : i32
      %dma_wait3A_78 = arith.constant 0 : i32
      %dma_wait3A_79 = tpu.memref_slice %arg2[%dma_wait3A_77, %dma_wait3A_78] : memref<10000x32xf32, #tpu.memory_space<hbm>> -> memref<128x32xf32, #tpu.memory_space<hbm>>
      tpu.wait_dma2 semaphore(%arg15 : memref<!tpu.dma_semaphore, #tpu.memory_space<semaphore_mem>>) src(%dma_wait3A_79 : memref<128x32xf32, #tpu.memory_space<hbm>>) dst(%arg9 : memref<128x32xf32, #tpu.memory_space<vmem>>)
      %dma_wait3A_80 = arith.constant 0 : i32
      %dma_wait3A_81 = arith.constant 0 : i32
      %dma_wait3A_82 = tpu.memref_slice %arg2[%dma_wait3A_80, %dma_wait3A_81] : memref<10000x32xf32, #tpu.memory_space<hbm>> -> memref<128x32xf32, #tpu.memory_space<hbm>>
      %dma_wait3A_83 = arith.constant 0 : i32
      %dma_wait3A_84 = arith.constant 0 : i32
      %dma_wait3A_85 = tpu.memref_slice %arg2[%dma_wait3A_83, %dma_wait3A_84] : memref<10000x32xf32, #tpu.memory_space<hbm>> -> memref<128x32xf32, #tpu.memory_space<hbm>>
      tpu.wait_dma2 semaphore(%arg15 : memref<!tpu.dma_semaphore, #tpu.memory_space<semaphore_mem>>) src(%dma_wait3A_85 : memref<128x32xf32, #tpu.memory_space<hbm>>) dst(%arg11 : memref<128x32xf32, #tpu.memory_space<vmem>>)
      %scan3A_86 = arith.constant 0 : i32
      %scan3A_87 = arith.constant 0 : i32
      %scan3A_88 = arith.constant 8 : i32
      %scan3A_89 = arith.addi %scan3A_87, %scan3A_88 : i32
      %scan3A_90 = arith.constant 1 : i32
      %scan3A_91 = scf.for %scan3A_101 = %scan3A_87 to %scan3A_89 step %scan3A_90 iter_args(%scan3A_102 = %scan3A_86) -> (i32)  : i32 {
        %broadcast_in_dim3A = arith.constant 0.000000e+00 : f32
        %broadcast_in_dim3A_103 = vector.broadcast %broadcast_in_dim3A : f32 to vector<16xf32>
        %mul3A_104 = arith.constant 16 : i32
        %mul3A_105 = arith.muli %scan3A_101, %mul3A_104 : i32
        %add3A_106 = arith.constant 0 : i32
        %add3A_107 = arith.addi %mul3A_105, %add3A_106 : i32
        %get3A = arith.index_cast %add3A_107 : i32 to index
        %get3A_108 = arith.constant 0 : index
        %get3A_109 = tpu.vector_load %arg9[%get3A, %get3A_108] {strides = array<i32>} : memref<128x32xf32, #tpu.memory_space<vmem>>, vector<16xf32>,
        %get3A_110 = arith.index_cast %add3A_107 : i32 to index
        %get3A_111 = arith.constant 16 : index
        %get3A_112 = tpu.vector_load %arg9[%get3A_110, %get3A_111] {strides = array<i32>} : memref<128x32xf32, #tpu.memory_space<vmem>>, vector<16xf32>,
        %get3A_113 = arith.index_cast %add3A_107 : i32 to index
        %get3A_114 = arith.constant 0 : index
        %get3A_115 = tpu.vector_load %arg11[%get3A_113, %get3A_114] {strides = array<i32>} : memref<128x32xf32, #tpu.memory_space<vmem>>, vector<16xf32>,
        %get3A_116 = arith.index_cast %add3A_107 : i32 to index
        %get3A_117 = arith.constant 16 : index
        %get3A_118 = tpu.vector_load %arg11[%get3A_116, %get3A_117] {strides = array<i32>} : memref<128x32xf32, #tpu.memory_space<vmem>>, vector<16xf32>,
        %mul3A_119 = arith.mulf %get3A_109, %get3A_118 : vector<16xf32>
        %reduce_sum3A = arith.constant true
        %reduce_sum3A_120 = vector.broadcast %reduce_sum3A : i1 to vector<16xi1>
        %reduce_sum3A_121 = tpu.scan <sum>, %mul3A_119 masked %reduce_sum3A_120 : vector<16xf32>, vector<16xi1> -> vector<16xf32>
        %reduce_sum3A_122 = vector.extract %reduce_sum3A_121[15] : f32 from vector<16xf32>
        %mul3A_123 = arith.mulf %get3A_115, %get3A_112 : vector<16xf32>
        %reduce_sum3A_124 = arith.constant true
        %reduce_sum3A_125 = vector.broadcast %reduce_sum3A_124 : i1 to vector<16xi1>
        %reduce_sum3A_126 = tpu.scan <sum>, %mul3A_123 masked %reduce_sum3A_125 : vector<16xf32>, vector<16xi1> -> vector<16xf32>
        %reduce_sum3A_127 = vector.extract %reduce_sum3A_126[15] : f32 from vector<16xf32>
        %eq3A_128 = arith.constant 0 : i32
        %eq3A_129 = vector.broadcast %eq3A_128 : i32 to vector<16xi32>
        %eq3A_130 = arith.cmpi eq, %iota3A, %eq3A_129 : vector<16xi32>
        %broadcast_in_dim3A_131 = vector.broadcast %reduce_sum3A_122 : f32 to vector<16xf32>
        %select_n3A = arith.select %eq3A_130, %broadcast_in_dim3A_131, %broadcast_in_dim3A_103 : vector<16xi1>, vector<16xf32>
        %broadcast_in_dim3A_132 = vector.broadcast %reduce_sum3A_127 : f32 to vector<16xf32>
        %select_n3A_133 = arith.select %eq3A_130, %broadcast_in_dim3A_132, %broadcast_in_dim3A_103 : vector<16xi1>, vector<16xf32>
        %mul3A_134 = arith.constant 16 : i32
        %mul3A_135 = arith.muli %scan3A_101, %mul3A_134 : i32
        %add3A_136 = arith.constant 1 : i32
        %add3A_137 = arith.addi %mul3A_135, %add3A_136 : i32
        %get3A_138 = arith.index_cast %add3A_137 : i32 to index
        %get3A_139 = arith.constant 0 : index
        %get3A_140 = tpu.vector_load %arg9[%get3A_138, %get3A_139] {strides = array<i32>} : memref<128x32xf32, #tpu.memory_space<vmem>>, vector<16xf32>,
        %get3A_141 = arith.index_cast %add3A_137 : i32 to index
        %get3A_142 = arith.constant 16 : index
        %get3A_143 = tpu.vector_load %arg9[%get3A_141, %get3A_142] {strides = array<i32>} : memref<128x32xf32, #tpu.memory_space<vmem>>, vector<16xf32>,
        %get3A_144 = arith.index_cast %add3A_137 : i32 to index
        %get3A_145 = arith.constant 0 : index
        %get3A_146 = tpu.vector_load %arg11[%get3A_144, %get3A_145] {strides = array<i32>} : memref<128x32xf32, #tpu.memory_space<vmem>>, vector<16xf32>,
        %get3A_147 = arith.index_cast %add3A_137 : i32 to index
        %get3A_148 = arith.constant 16 : index
        %get3A_149 = tpu.vector_load %arg11[%get3A_147, %get3A_148] {strides = array<i32>} : memref<128x32xf32, #tpu.memory_space<vmem>>, vector<16xf32>,
        %mul3A_150 = arith.mulf %get3A_140, %get3A_149 : vector<16xf32>
        %reduce_sum3A_151 = arith.constant true
        %reduce_sum3A_152 = vector.broadcast %reduce_sum3A_151 : i1 to vector<16xi1>
        %reduce_sum3A_153 = tpu.scan <sum>, %mul3A_150 masked %reduce_sum3A_152 : vector<16xf32>, vector<16xi1> -> vector<16xf32>
        %reduce_sum3A_154 = vector.extract %reduce_sum3A_153[15] : f32 from vector<16xf32>
        %mul3A_155 = arith.mulf %get3A_146, %get3A_143 : vector<16xf32>
        %reduce_sum3A_156 = arith.constant true
        %reduce_sum3A_157 = vector.broadcast %reduce_sum3A_156 : i1 to vector<16xi1>
        %reduce_sum3A_158 = tpu.scan <sum>, %mul3A_155 masked %reduce_sum3A_157 : vector<16xf32>, vector<16xi1> -> vector<16xf32>
        %reduce_sum3A_159 = vector.extract %reduce_sum3A_158[15] : f32 from vector<16xf32>
        %eq3A_160 = arith.constant 1 : i32
        %eq3A_161 = vector.broadcast %eq3A_160 : i32 to vector<16xi32>
        %eq3A_162 = arith.cmpi eq, %iota3A, %eq3A_161 : vector<16xi32>
        %broadcast_in_dim3A_163 = vector.broadcast %reduce_sum3A_154 : f32 to vector<16xf32>
        %select_n3A_164 = arith.select %eq3A_162, %broadcast_in_dim3A_163, %select_n3A : vector<16xi1>, vector<16xf32>
        %broadcast_in_dim3A_165 = vector.broadcast %reduce_sum3A_159 : f32 to vector<16xf32>
        %select_n3A_166 = arith.select %eq3A_162, %broadcast_in_dim3A_165, %select_n3A_133 : vector<16xi1>, vector<16xf32>
        %mul3A_167 = arith.constant 16 : i32
        %mul3A_168 = arith.muli %scan3A_101, %mul3A_167 : i32
        %add3A_169 = arith.constant 2 : i32
        %add3A_170 = arith.addi %mul3A_168, %add3A_169 : i32
        %get3A_171 = arith.index_cast %add3A_170 : i32 to index
        %get3A_172 = arith.constant 0 : index
        %get3A_173 = tpu.vector_load %arg9[%get3A_171, %get3A_172] {strides = array<i32>} : memref<128x32xf32, #tpu.memory_space<vmem>>, vector<16xf32>,
        %get3A_174 = arith.index_cast %add3A_170 : i32 to index
        %get3A_175 = arith.constant 16 : index
        %get3A_176 = tpu.vector_load %arg9[%get3A_174, %get3A_175] {strides = array<i32>} : memref<128x32xf32, #tpu.memory_space<vmem>>, vector<16xf32>,
        %get3A_177 = arith.index_cast %add3A_170 : i32 to index
        %get3A_178 = arith.constant 0 : index
        %get3A_179 = tpu.vector_load %arg11[%get3A_177, %get3A_178] {strides = array<i32>} : memref<128x32xf32, #tpu.memory_space<vmem>>, vector<16xf32>,
        %get3A_180 = arith.index_cast %add3A_170 : i32 to index
        %get3A_181 = arith.constant 16 : index
        %get3A_182 = tpu.vector_load %arg11[%get3A_180, %get3A_181] {strides = array<i32>} : memref<128x32xf32, #tpu.memory_space<vmem>>, vector<16xf32>,
        %mul3A_183 = arith.mulf %get3A_173, %get3A_182 : vector<16xf32>
        %reduce_sum3A_184 = arith.constant true
        %reduce_sum3A_185 = vector.broadcast %reduce_sum3A_184 : i1 to vector<16xi1>
        %reduce_sum3A_186 = tpu.scan <sum>, %mul3A_183 masked %reduce_sum3A_185 : vector<16xf32>, vector<16xi1> -> vector<16xf32>
        %reduce_sum3A_187 = vector.extract %reduce_sum3A_186[15] : f32 from vector<16xf32>
        %mul3A_188 = arith.mulf %get3A_179, %get3A_176 : vector<16xf32>
        %reduce_sum3A_189 = arith.constant true
        %reduce_sum3A_190 = vector.broadcast %reduce_sum3A_189 : i1 to vector<16xi1>
        %reduce_sum3A_191 = tpu.scan <sum>, %mul3A_188 masked %reduce_sum3A_190 : vector<16xf32>, vector<16xi1> -> vector<16xf32>
        %reduce_sum3A_192 = vector.extract %reduce_sum3A_191[15] : f32 from vector<16xf32>
        %eq3A_193 = arith.constant 2 : i32
        %eq3A_194 = vector.broadcast %eq3A_193 : i32 to vector<16xi32>
        %eq3A_195 = arith.cmpi eq, %iota3A, %eq3A_194 : vector<16xi32>
        %broadcast_in_dim3A_196 = vector.broadcast %reduce_sum3A_187 : f32 to vector<16xf32>
        %select_n3A_197 = arith.select %eq3A_195, %broadcast_in_dim3A_196, %select_n3A_164 : vector<16xi1>, vector<16xf32>
        %broadcast_in_dim3A_198 = vector.broadcast %reduce_sum3A_192 : f32 to vector<16xf32>
        %select_n3A_199 = arith.select %eq3A_195, %broadcast_in_dim3A_198, %select_n3A_166 : vector<16xi1>, vector<16xf32>
        %mul3A_200 = arith.constant 16 : i32
        %mul3A_201 = arith.muli %scan3A_101, %mul3A_200 : i32
        %add3A_202 = arith.constant 3 : i32
        %add3A_203 = arith.addi %mul3A_201, %add3A_202 : i32
        %get3A_204 = arith.index_cast %add3A_203 : i32 to index
        %get3A_205 = arith.constant 0 : index
        %get3A_206 = tpu.vector_load %arg9[%get3A_204, %get3A_205] {strides = array<i32>} : memref<128x32xf32, #tpu.memory_space<vmem>>, vector<16xf32>,
        %get3A_207 = arith.index_cast %add3A_203 : i32 to index
        %get3A_208 = arith.constant 16 : index
        %get3A_209 = tpu.vector_load %arg9[%get3A_207, %get3A_208] {strides = array<i32>} : memref<128x32xf32, #tpu.memory_space<vmem>>, vector<16xf32>,
        %get3A_210 = arith.index_cast %add3A_203 : i32 to index
        %get3A_211 = arith.constant 0 : index
        %get3A_212 = tpu.vector_load %arg11[%get3A_210, %get3A_211] {strides = array<i32>} : memref<128x32xf32, #tpu.memory_space<vmem>>, vector<16xf32>,
        %get3A_213 = arith.index_cast %add3A_203 : i32 to index
        %get3A_214 = arith.constant 16 : index
        %get3A_215 = tpu.vector_load %arg11[%get3A_213, %get3A_214] {strides = array<i32>} : memref<128x32xf32, #tpu.memory_space<vmem>>, vector<16xf32>,
        %mul3A_216 = arith.mulf %get3A_206, %get3A_215 : vector<16xf32>
        %reduce_sum3A_217 = arith.constant true
        %reduce_sum3A_218 = vector.broadcast %reduce_sum3A_217 : i1 to vector<16xi1>
        %reduce_sum3A_219 = tpu.scan <sum>, %mul3A_216 masked %reduce_sum3A_218 : vector<16xf32>, vector<16xi1> -> vector<16xf32>
        %reduce_sum3A_220 = vector.extract %reduce_sum3A_219[15] : f32 from vector<16xf32>
        %mul3A_221 = arith.mulf %get3A_212, %get3A_209 : vector<16xf32>
        %reduce_sum3A_222 = arith.constant true
        %reduce_sum3A_223 = vector.broadcast %reduce_sum3A_222 : i1 to vector<16xi1>
        %reduce_sum3A_224 = tpu.scan <sum>, %mul3A_221 masked %reduce_sum3A_223 : vector<16xf32>, vector<16xi1> -> vector<16xf32>
        %reduce_sum3A_225 = vector.extract %reduce_sum3A_224[15] : f32 from vector<16xf32>
        %eq3A_226 = arith.constant 3 : i32
        %eq3A_227 = vector.broadcast %eq3A_226 : i32 to vector<16xi32>
        %eq3A_228 = arith.cmpi eq, %iota3A, %eq3A_227 : vector<16xi32>
        %broadcast_in_dim3A_229 = vector.broadcast %reduce_sum3A_220 : f32 to vector<16xf32>
        %select_n3A_230 = arith.select %eq3A_228, %broadcast_in_dim3A_229, %select_n3A_197 : vector<16xi1>, vector<16xf32>
        %broadcast_in_dim3A_231 = vector.broadcast %reduce_sum3A_225 : f32 to vector<16xf32>
        %select_n3A_232 = arith.select %eq3A_228, %broadcast_in_dim3A_231, %select_n3A_199 : vector<16xi1>, vector<16xf32>
        %mul3A_233 = arith.constant 16 : i32
        %mul3A_234 = arith.muli %scan3A_101, %mul3A_233 : i32
        %add3A_235 = arith.constant 4 : i32
        %add3A_236 = arith.addi %mul3A_234, %add3A_235 : i32
        %get3A_237 = arith.index_cast %add3A_236 : i32 to index
        %get3A_238 = arith.constant 0 : index
        %get3A_239 = tpu.vector_load %arg9[%get3A_237, %get3A_238] {strides = array<i32>} : memref<128x32xf32, #tpu.memory_space<vmem>>, vector<16xf32>,
        %get3A_240 = arith.index_cast %add3A_236 : i32 to index
        %get3A_241 = arith.constant 16 : index
        %get3A_242 = tpu.vector_load %arg9[%get3A_240, %get3A_241] {strides = array<i32>} : memref<128x32xf32, #tpu.memory_space<vmem>>, vector<16xf32>,
        %get3A_243 = arith.index_cast %add3A_236 : i32 to index
        %get3A_244 = arith.constant 0 : index
        %get3A_245 = tpu.vector_load %arg11[%get3A_243, %get3A_244] {strides = array<i32>} : memref<128x32xf32, #tpu.memory_space<vmem>>, vector<16xf32>,
        %get3A_246 = arith.index_cast %add3A_236 : i32 to index
        %get3A_247 = arith.constant 16 : index
        %get3A_248 = tpu.vector_load %arg11[%get3A_246, %get3A_247] {strides = array<i32>} : memref<128x32xf32, #tpu.memory_space<vmem>>, vector<16xf32>,
        %mul3A_249 = arith.mulf %get3A_239, %get3A_248 : vector<16xf32>
        %reduce_sum3A_250 = arith.constant true
        %reduce_sum3A_251 = vector.broadcast %reduce_sum3A_250 : i1 to vector<16xi1>
        %reduce_sum3A_252 = tpu.scan <sum>, %mul3A_249 masked %reduce_sum3A_251 : vector<16xf32>, vector<16xi1> -> vector<16xf32>
        %reduce_sum3A_253 = vector.extract %reduce_sum3A_252[15] : f32 from vector<16xf32>
        %mul3A_254 = arith.mulf %get3A_245, %get3A_242 : vector<16xf32>
        %reduce_sum3A_255 = arith.constant true
        %reduce_sum3A_256 = vector.broadcast %reduce_sum3A_255 : i1 to vector<16xi1>
        %reduce_sum3A_257 = tpu.scan <sum>, %mul3A_254 masked %reduce_sum3A_256 : vector<16xf32>, vector<16xi1> -> vector<16xf32>
        %reduce_sum3A_258 = vector.extract %reduce_sum3A_257[15] : f32 from vector<16xf32>
        %eq3A_259 = arith.constant 4 : i32
        %eq3A_260 = vector.broadcast %eq3A_259 : i32 to vector<16xi32>
        %eq3A_261 = arith.cmpi eq, %iota3A, %eq3A_260 : vector<16xi32>
        %broadcast_in_dim3A_262 = vector.broadcast %reduce_sum3A_253 : f32 to vector<16xf32>
        %select_n3A_263 = arith.select %eq3A_261, %broadcast_in_dim3A_262, %select_n3A_230 : vector<16xi1>, vector<16xf32>
        %broadcast_in_dim3A_264 = vector.broadcast %reduce_sum3A_258 : f32 to vector<16xf32>
        %select_n3A_265 = arith.select %eq3A_261, %broadcast_in_dim3A_264, %select_n3A_232 : vector<16xi1>, vector<16xf32>
        %mul3A_266 = arith.constant 16 : i32
        %mul3A_267 = arith.muli %scan3A_101, %mul3A_266 : i32
        %add3A_268 = arith.constant 5 : i32
        %add3A_269 = arith.addi %mul3A_267, %add3A_268 : i32
        %get3A_270 = arith.index_cast %add3A_269 : i32 to index
        %get3A_271 = arith.constant 0 : index
        %get3A_272 = tpu.vector_load %arg9[%get3A_270, %get3A_271] {strides = array<i32>} : memref<128x32xf32, #tpu.memory_space<vmem>>, vector<16xf32>,
        %get3A_273 = arith.index_cast %add3A_269 : i32 to index
        %get3A_274 = arith.constant 16 : index
        %get3A_275 = tpu.vector_load %arg9[%get3A_273, %get3A_274] {strides = array<i32>} : memref<128x32xf32, #tpu.memory_space<vmem>>, vector<16xf32>,
        %get3A_276 = arith.index_cast %add3A_269 : i32 to index
        %get3A_277 = arith.constant 0 : index
        %get3A_278 = tpu.vector_load %arg11[%get3A_276, %get3A_277] {strides = array<i32>} : memref<128x32xf32, #tpu.memory_space<vmem>>, vector<16xf32>,
        %get3A_279 = arith.index_cast %add3A_269 : i32 to index
        %get3A_280 = arith.constant 16 : index
        %get3A_281 = tpu.vector_load %arg11[%get3A_279, %get3A_280] {strides = array<i32>} : memref<128x32xf32, #tpu.memory_space<vmem>>, vector<16xf32>,
        %mul3A_282 = arith.mulf %get3A_272, %get3A_281 : vector<16xf32>
        %reduce_sum3A_283 = arith.constant true
        %reduce_sum3A_284 = vector.broadcast %reduce_sum3A_283 : i1 to vector<16xi1>
        %reduce_sum3A_285 = tpu.scan <sum>, %mul3A_282 masked %reduce_sum3A_284 : vector<16xf32>, vector<16xi1> -> vector<16xf32>
        %reduce_sum3A_286 = vector.extract %reduce_sum3A_285[15] : f32 from vector<16xf32>
        %mul3A_287 = arith.mulf %get3A_278, %get3A_275 : vector<16xf32>
        %reduce_sum3A_288 = arith.constant true
        %reduce_sum3A_289 = vector.broadcast %reduce_sum3A_288 : i1 to vector<16xi1>
        %reduce_sum3A_290 = tpu.scan <sum>, %mul3A_287 masked %reduce_sum3A_289 : vector<16xf32>, vector<16xi1> -> vector<16xf32>
        %reduce_sum3A_291 = vector.extract %reduce_sum3A_290[15] : f32 from vector<16xf32>
        %eq3A_292 = arith.constant 5 : i32
        %eq3A_293 = vector.broadcast %eq3A_292 : i32 to vector<16xi32>
        %eq3A_294 = arith.cmpi eq, %iota3A, %eq3A_293 : vector<16xi32>
        %broadcast_in_dim3A_295 = vector.broadcast %reduce_sum3A_286 : f32 to vector<16xf32>
        %select_n3A_296 = arith.select %eq3A_294, %broadcast_in_dim3A_295, %select_n3A_263 : vector<16xi1>, vector<16xf32>
        %broadcast_in_dim3A_297 = vector.broadcast %reduce_sum3A_291 : f32 to vector<16xf32>
        %select_n3A_298 = arith.select %eq3A_294, %broadcast_in_dim3A_297, %select_n3A_265 : vector<16xi1>, vector<16xf32>
        %mul3A_299 = arith.constant 16 : i32
        %mul3A_300 = arith.muli %scan3A_101, %mul3A_299 : i32
        %add3A_301 = arith.constant 6 : i32
        %add3A_302 = arith.addi %mul3A_300, %add3A_301 : i32
        %get3A_303 = arith.index_cast %add3A_302 : i32 to index
        %get3A_304 = arith.constant 0 : index
        %get3A_305 = tpu.vector_load %arg9[%get3A_303, %get3A_304] {strides = array<i32>} : memref<128x32xf32, #tpu.memory_space<vmem>>, vector<16xf32>,
        %get3A_306 = arith.index_cast %add3A_302 : i32 to index
        %get3A_307 = arith.constant 16 : index
        %get3A_308 = tpu.vector_load %arg9[%get3A_306, %get3A_307] {strides = array<i32>} : memref<128x32xf32, #tpu.memory_space<vmem>>, vector<16xf32>,
        %get3A_309 = arith.index_cast %add3A_302 : i32 to index
        %get3A_310 = arith.constant 0 : index
        %get3A_311 = tpu.vector_load %arg11[%get3A_309, %get3A_310] {strides = array<i32>} : memref<128x32xf32, #tpu.memory_space<vmem>>, vector<16xf32>,
        %get3A_312 = arith.index_cast %add3A_302 : i32 to index
        %get3A_313 = arith.constant 16 : index
        %get3A_314 = tpu.vector_load %arg11[%get3A_312, %get3A_313] {strides = array<i32>} : memref<128x32xf32, #tpu.memory_space<vmem>>, vector<16xf32>,
        %mul3A_315 = arith.mulf %get3A_305, %get3A_314 : vector<16xf32>
        %reduce_sum3A_316 = arith.constant true
        %reduce_sum3A_317 = vector.broadcast %reduce_sum3A_316 : i1 to vector<16xi1>
        %reduce_sum3A_318 = tpu.scan <sum>, %mul3A_315 masked %reduce_sum3A_317 : vector<16xf32>, vector<16xi1> -> vector<16xf32>
        %reduce_sum3A_319 = vector.extract %reduce_sum3A_318[15] : f32 from vector<16xf32>
        %mul3A_320 = arith.mulf %get3A_311, %get3A_308 : vector<16xf32>
        %reduce_sum3A_321 = arith.constant true
        %reduce_sum3A_322 = vector.broadcast %reduce_sum3A_321 : i1 to vector<16xi1>
        %reduce_sum3A_323 = tpu.scan <sum>, %mul3A_320 masked %reduce_sum3A_322 : vector<16xf32>, vector<16xi1> -> vector<16xf32>
        %reduce_sum3A_324 = vector.extract %reduce_sum3A_323[15] : f32 from vector<16xf32>
        %eq3A_325 = arith.constant 6 : i32
        %eq3A_326 = vector.broadcast %eq3A_325 : i32 to vector<16xi32>
        %eq3A_327 = arith.cmpi eq, %iota3A, %eq3A_326 : vector<16xi32>
        %broadcast_in_dim3A_328 = vector.broadcast %reduce_sum3A_319 : f32 to vector<16xf32>
        %select_n3A_329 = arith.select %eq3A_327, %broadcast_in_dim3A_328, %select_n3A_296 : vector<16xi1>, vector<16xf32>
        %broadcast_in_dim3A_330 = vector.broadcast %reduce_sum3A_324 : f32 to vector<16xf32>
        %select_n3A_331 = arith.select %eq3A_327, %broadcast_in_dim3A_330, %select_n3A_298 : vector<16xi1>, vector<16xf32>
        %mul3A_332 = arith.constant 16 : i32
        %mul3A_333 = arith.muli %scan3A_101, %mul3A_332 : i32
        %add3A_334 = arith.constant 7 : i32
        %add3A_335 = arith.addi %mul3A_333, %add3A_334 : i32
        %get3A_336 = arith.index_cast %add3A_335 : i32 to index
        %get3A_337 = arith.constant 0 : index
        %get3A_338 = tpu.vector_load %arg9[%get3A_336, %get3A_337] {strides = array<i32>} : memref<128x32xf32, #tpu.memory_space<vmem>>, vector<16xf32>,
        %get3A_339 = arith.index_cast %add3A_335 : i32 to index
        %get3A_340 = arith.constant 16 : index
        %get3A_341 = tpu.vector_load %arg9[%get3A_339, %get3A_340] {strides = array<i32>} : memref<128x32xf32, #tpu.memory_space<vmem>>, vector<16xf32>,
        %get3A_342 = arith.index_cast %add3A_335 : i32 to index
        %get3A_343 = arith.constant 0 : index
        %get3A_344 = tpu.vector_load %arg11[%get3A_342, %get3A_343] {strides = array<i32>} : memref<128x32xf32, #tpu.memory_space<vmem>>, vector<16xf32>,
        %get3A_345 = arith.index_cast %add3A_335 : i32 to index
        %get3A_346 = arith.constant 16 : index
        %get3A_347 = tpu.vector_load %arg11[%get3A_345, %get3A_346] {strides = array<i32>} : memref<128x32xf32, #tpu.memory_space<vmem>>, vector<16xf32>,
        %mul3A_348 = arith.mulf %get3A_338, %get3A_347 : vector<16xf32>
        %reduce_sum3A_349 = arith.constant true
        %reduce_sum3A_350 = vector.broadcast %reduce_sum3A_349 : i1 to vector<16xi1>
        %reduce_sum3A_351 = tpu.scan <sum>, %mul3A_348 masked %reduce_sum3A_350 : vector<16xf32>, vector<16xi1> -> vector<16xf32>
        %reduce_sum3A_352 = vector.extract %reduce_sum3A_351[15] : f32 from vector<16xf32>
        %mul3A_353 = arith.mulf %get3A_344, %get3A_341 : vector<16xf32>
        %reduce_sum3A_354 = arith.constant true
        %reduce_sum3A_355 = vector.broadcast %reduce_sum3A_354 : i1 to vector<16xi1>
        %reduce_sum3A_356 = tpu.scan <sum>, %mul3A_353 masked %reduce_sum3A_355 : vector<16xf32>, vector<16xi1> -> vector<16xf32>
        %reduce_sum3A_357 = vector.extract %reduce_sum3A_356[15] : f32 from vector<16xf32>
        %eq3A_358 = arith.constant 7 : i32
        %eq3A_359 = vector.broadcast %eq3A_358 : i32 to vector<16xi32>
        %eq3A_360 = arith.cmpi eq, %iota3A, %eq3A_359 : vector<16xi32>
        %broadcast_in_dim3A_361 = vector.broadcast %reduce_sum3A_352 : f32 to vector<16xf32>
        %select_n3A_362 = arith.select %eq3A_360, %broadcast_in_dim3A_361, %select_n3A_329 : vector<16xi1>, vector<16xf32>
        %broadcast_in_dim3A_363 = vector.broadcast %reduce_sum3A_357 : f32 to vector<16xf32>
        %select_n3A_364 = arith.select %eq3A_360, %broadcast_in_dim3A_363, %select_n3A_331 : vector<16xi1>, vector<16xf32>
        %mul3A_365 = arith.constant 16 : i32
        %mul3A_366 = arith.muli %scan3A_101, %mul3A_365 : i32
        %add3A_367 = arith.constant 8 : i32
        %add3A_368 = arith.addi %mul3A_366, %add3A_367 : i32
        %get3A_369 = arith.index_cast %add3A_368 : i32 to index
        %get3A_370 = arith.constant 0 : index
        %get3A_371 = tpu.vector_load %arg9[%get3A_369, %get3A_370] {strides = array<i32>} : memref<128x32xf32, #tpu.memory_space<vmem>>, vector<16xf32>,
        %get3A_372 = arith.index_cast %add3A_368 : i32 to index
        %get3A_373 = arith.constant 16 : index
        %get3A_374 = tpu.vector_load %arg9[%get3A_372, %get3A_373] {strides = array<i32>} : memref<128x32xf32, #tpu.memory_space<vmem>>, vector<16xf32>,
        %get3A_375 = arith.index_cast %add3A_368 : i32 to index
        %get3A_376 = arith.constant 0 : index
        %get3A_377 = tpu.vector_load %arg11[%get3A_375, %get3A_376] {strides = array<i32>} : memref<128x32xf32, #tpu.memory_space<vmem>>, vector<16xf32>,
        %get3A_378 = arith.index_cast %add3A_368 : i32 to index
        %get3A_379 = arith.constant 16 : index
        %get3A_380 = tpu.vector_load %arg11[%get3A_378, %get3A_379] {strides = array<i32>} : memref<128x32xf32, #tpu.memory_space<vmem>>, vector<16xf32>,
        %mul3A_381 = arith.mulf %get3A_371, %get3A_380 : vector<16xf32>
        %reduce_sum3A_382 = arith.constant true
        %reduce_sum3A_383 = vector.broadcast %reduce_sum3A_382 : i1 to vector<16xi1>
        %reduce_sum3A_384 = tpu.scan <sum>, %mul3A_381 masked %reduce_sum3A_383 : vector<16xf32>, vector<16xi1> -> vector<16xf32>
        %reduce_sum3A_385 = vector.extract %reduce_sum3A_384[15] : f32 from vector<16xf32>
        %mul3A_386 = arith.mulf %get3A_377, %get3A_374 : vector<16xf32>
        %reduce_sum3A_387 = arith.constant true
        %reduce_sum3A_388 = vector.broadcast %reduce_sum3A_387 : i1 to vector<16xi1>
        %reduce_sum3A_389 = tpu.scan <sum>, %mul3A_386 masked %reduce_sum3A_388 : vector<16xf32>, vector<16xi1> -> vector<16xf32>
        %reduce_sum3A_390 = vector.extract %reduce_sum3A_389[15] : f32 from vector<16xf32>
        %eq3A_391 = arith.constant 8 : i32
        %eq3A_392 = vector.broadcast %eq3A_391 : i32 to vector<16xi32>
        %eq3A_393 = arith.cmpi eq, %iota3A, %eq3A_392 : vector<16xi32>
        %broadcast_in_dim3A_394 = vector.broadcast %reduce_sum3A_385 : f32 to vector<16xf32>
        %select_n3A_395 = arith.select %eq3A_393, %broadcast_in_dim3A_394, %select_n3A_362 : vector<16xi1>, vector<16xf32>
        %broadcast_in_dim3A_396 = vector.broadcast %reduce_sum3A_390 : f32 to vector<16xf32>
        %select_n3A_397 = arith.select %eq3A_393, %broadcast_in_dim3A_396, %select_n3A_364 : vector<16xi1>, vector<16xf32>
        %mul3A_398 = arith.constant 16 : i32
        %mul3A_399 = arith.muli %scan3A_101, %mul3A_398 : i32
        %add3A_400 = arith.constant 9 : i32
        %add3A_401 = arith.addi %mul3A_399, %add3A_400 : i32
        %get3A_402 = arith.index_cast %add3A_401 : i32 to index
        %get3A_403 = arith.constant 0 : index
        %get3A_404 = tpu.vector_load %arg9[%get3A_402, %get3A_403] {strides = array<i32>} : memref<128x32xf32, #tpu.memory_space<vmem>>, vector<16xf32>,
        %get3A_405 = arith.index_cast %add3A_401 : i32 to index
        %get3A_406 = arith.constant 16 : index
        %get3A_407 = tpu.vector_load %arg9[%get3A_405, %get3A_406] {strides = array<i32>} : memref<128x32xf32, #tpu.memory_space<vmem>>, vector<16xf32>,
        %get3A_408 = arith.index_cast %add3A_401 : i32 to index
        %get3A_409 = arith.constant 0 : index
        %get3A_410 = tpu.vector_load %arg11[%get3A_408, %get3A_409] {strides = array<i32>} : memref<128x32xf32, #tpu.memory_space<vmem>>, vector<16xf32>,
        %get3A_411 = arith.index_cast %add3A_401 : i32 to index
        %get3A_412 = arith.constant 16 : index
        %get3A_413 = tpu.vector_load %arg11[%get3A_411, %get3A_412] {strides = array<i32>} : memref<128x32xf32, #tpu.memory_space<vmem>>, vector<16xf32>,
        %mul3A_414 = arith.mulf %get3A_404, %get3A_413 : vector<16xf32>
        %reduce_sum3A_415 = arith.constant true
        %reduce_sum3A_416 = vector.broadcast %reduce_sum3A_415 : i1 to vector<16xi1>
        %reduce_sum3A_417 = tpu.scan <sum>, %mul3A_414 masked %reduce_sum3A_416 : vector<16xf32>, vector<16xi1> -> vector<16xf32>
        %reduce_sum3A_418 = vector.extract %reduce_sum3A_417[15] : f32 from vector<16xf32>
        %mul3A_419 = arith.mulf %get3A_410, %get3A_407 : vector<16xf32>
        %reduce_sum3A_420 = arith.constant true
        %reduce_sum3A_421 = vector.broadcast %reduce_sum3A_420 : i1 to vector<16xi1>
        %reduce_sum3A_422 = tpu.scan <sum>, %mul3A_419 masked %reduce_sum3A_421 : vector<16xf32>, vector<16xi1> -> vector<16xf32>
        %reduce_sum3A_423 = vector.extract %reduce_sum3A_422[15] : f32 from vector<16xf32>
        %eq3A_424 = arith.constant 9 : i32
        %eq3A_425 = vector.broadcast %eq3A_424 : i32 to vector<16xi32>
        %eq3A_426 = arith.cmpi eq, %iota3A, %eq3A_425 : vector<16xi32>
        %broadcast_in_dim3A_427 = vector.broadcast %reduce_sum3A_418 : f32 to vector<16xf32>
        %select_n3A_428 = arith.select %eq3A_426, %broadcast_in_dim3A_427, %select_n3A_395 : vector<16xi1>, vector<16xf32>
        %broadcast_in_dim3A_429 = vector.broadcast %reduce_sum3A_423 : f32 to vector<16xf32>
        %select_n3A_430 = arith.select %eq3A_426, %broadcast_in_dim3A_429, %select_n3A_397 : vector<16xi1>, vector<16xf32>
        %mul3A_431 = arith.constant 16 : i32
        %mul3A_432 = arith.muli %scan3A_101, %mul3A_431 : i32
        %add3A_433 = arith.constant 10 : i32
        %add3A_434 = arith.addi %mul3A_432, %add3A_433 : i32
        %get3A_435 = arith.index_cast %add3A_434 : i32 to index
        %get3A_436 = arith.constant 0 : index
        %get3A_437 = tpu.vector_load %arg9[%get3A_435, %get3A_436] {strides = array<i32>} : memref<128x32xf32, #tpu.memory_space<vmem>>, vector<16xf32>,
        %get3A_438 = arith.index_cast %add3A_434 : i32 to index
        %get3A_439 = arith.constant 16 : index
        %get3A_440 = tpu.vector_load %arg9[%get3A_438, %get3A_439] {strides = array<i32>} : memref<128x32xf32, #tpu.memory_space<vmem>>, vector<16xf32>,
        %get3A_441 = arith.index_cast %add3A_434 : i32 to index
        %get3A_442 = arith.constant 0 : index
        %get3A_443 = tpu.vector_load %arg11[%get3A_441, %get3A_442] {strides = array<i32>} : memref<128x32xf32, #tpu.memory_space<vmem>>, vector<16xf32>,
        %get3A_444 = arith.index_cast %add3A_434 : i32 to index
        %get3A_445 = arith.constant 16 : index
        %get3A_446 = tpu.vector_load %arg11[%get3A_444, %get3A_445] {strides = array<i32>} : memref<128x32xf32, #tpu.memory_space<vmem>>, vector<16xf32>,
        %mul3A_447 = arith.mulf %get3A_437, %get3A_446 : vector<16xf32>
        %reduce_sum3A_448 = arith.constant true
        %reduce_sum3A_449 = vector.broadcast %reduce_sum3A_448 : i1 to vector<16xi1>
        %reduce_sum3A_450 = tpu.scan <sum>, %mul3A_447 masked %reduce_sum3A_449 : vector<16xf32>, vector<16xi1> -> vector<16xf32>
        %reduce_sum3A_451 = vector.extract %reduce_sum3A_450[15] : f32 from vector<16xf32>
        %mul3A_452 = arith.mulf %get3A_443, %get3A_440 : vector<16xf32>
        %reduce_sum3A_453 = arith.constant true
        %reduce_sum3A_454 = vector.broadcast %reduce_sum3A_453 : i1 to vector<16xi1>
        %reduce_sum3A_455 = tpu.scan <sum>, %mul3A_452 masked %reduce_sum3A_454 : vector<16xf32>, vector<16xi1> -> vector<16xf32>
        %reduce_sum3A_456 = vector.extract %reduce_sum3A_455[15] : f32 from vector<16xf32>
        %eq3A_457 = arith.constant 10 : i32
        %eq3A_458 = vector.broadcast %eq3A_457 : i32 to vector<16xi32>
        %eq3A_459 = arith.cmpi eq, %iota3A, %eq3A_458 : vector<16xi32>
        %broadcast_in_dim3A_460 = vector.broadcast %reduce_sum3A_451 : f32 to vector<16xf32>
        %select_n3A_461 = arith.select %eq3A_459, %broadcast_in_dim3A_460, %select_n3A_428 : vector<16xi1>, vector<16xf32>
        %broadcast_in_dim3A_462 = vector.broadcast %reduce_sum3A_456 : f32 to vector<16xf32>
        %select_n3A_463 = arith.select %eq3A_459, %broadcast_in_dim3A_462, %select_n3A_430 : vector<16xi1>, vector<16xf32>
        %mul3A_464 = arith.constant 16 : i32
        %mul3A_465 = arith.muli %scan3A_101, %mul3A_464 : i32
        %add3A_466 = arith.constant 11 : i32
        %add3A_467 = arith.addi %mul3A_465, %add3A_466 : i32
        %get3A_468 = arith.index_cast %add3A_467 : i32 to index
        %get3A_469 = arith.constant 0 : index
        %get3A_470 = tpu.vector_load %arg9[%get3A_468, %get3A_469] {strides = array<i32>} : memref<128x32xf32, #tpu.memory_space<vmem>>, vector<16xf32>,
        %get3A_471 = arith.index_cast %add3A_467 : i32 to index
        %get3A_472 = arith.constant 16 : index
        %get3A_473 = tpu.vector_load %arg9[%get3A_471, %get3A_472] {strides = array<i32>} : memref<128x32xf32, #tpu.memory_space<vmem>>, vector<16xf32>,
        %get3A_474 = arith.index_cast %add3A_467 : i32 to index
        %get3A_475 = arith.constant 0 : index
        %get3A_476 = tpu.vector_load %arg11[%get3A_474, %get3A_475] {strides = array<i32>} : memref<128x32xf32, #tpu.memory_space<vmem>>, vector<16xf32>,
        %get3A_477 = arith.index_cast %add3A_467 : i32 to index
        %get3A_478 = arith.constant 16 : index
        %get3A_479 = tpu.vector_load %arg11[%get3A_477, %get3A_478] {strides = array<i32>} : memref<128x32xf32, #tpu.memory_space<vmem>>, vector<16xf32>,
        %mul3A_480 = arith.mulf %get3A_470, %get3A_479 : vector<16xf32>
        %reduce_sum3A_481 = arith.constant true
        %reduce_sum3A_482 = vector.broadcast %reduce_sum3A_481 : i1 to vector<16xi1>
        %reduce_sum3A_483 = tpu.scan <sum>, %mul3A_480 masked %reduce_sum3A_482 : vector<16xf32>, vector<16xi1> -> vector<16xf32>
        %reduce_sum3A_484 = vector.extract %reduce_sum3A_483[15] : f32 from vector<16xf32>
        %mul3A_485 = arith.mulf %get3A_476, %get3A_473 : vector<16xf32>
        %reduce_sum3A_486 = arith.constant true
        %reduce_sum3A_487 = vector.broadcast %reduce_sum3A_486 : i1 to vector<16xi1>
        %reduce_sum3A_488 = tpu.scan <sum>, %mul3A_485 masked %reduce_sum3A_487 : vector<16xf32>, vector<16xi1> -> vector<16xf32>
        %reduce_sum3A_489 = vector.extract %reduce_sum3A_488[15] : f32 from vector<16xf32>
        %eq3A_490 = arith.constant 11 : i32
        %eq3A_491 = vector.broadcast %eq3A_490 : i32 to vector<16xi32>
        %eq3A_492 = arith.cmpi eq, %iota3A, %eq3A_491 : vector<16xi32>
        %broadcast_in_dim3A_493 = vector.broadcast %reduce_sum3A_484 : f32 to vector<16xf32>
        %select_n3A_494 = arith.select %eq3A_492, %broadcast_in_dim3A_493, %select_n3A_461 : vector<16xi1>, vector<16xf32>
        %broadcast_in_dim3A_495 = vector.broadcast %reduce_sum3A_489 : f32 to vector<16xf32>
        %select_n3A_496 = arith.select %eq3A_492, %broadcast_in_dim3A_495, %select_n3A_463 : vector<16xi1>, vector<16xf32>
        %mul3A_497 = arith.constant 16 : i32
        %mul3A_498 = arith.muli %scan3A_101, %mul3A_497 : i32
        %add3A_499 = arith.constant 12 : i32
        %add3A_500 = arith.addi %mul3A_498, %add3A_499 : i32
        %get3A_501 = arith.index_cast %add3A_500 : i32 to index
        %get3A_502 = arith.constant 0 : index
        %get3A_503 = tpu.vector_load %arg9[%get3A_501, %get3A_502] {strides = array<i32>} : memref<128x32xf32, #tpu.memory_space<vmem>>, vector<16xf32>,
        %get3A_504 = arith.index_cast %add3A_500 : i32 to index
        %get3A_505 = arith.constant 16 : index
        %get3A_506 = tpu.vector_load %arg9[%get3A_504, %get3A_505] {strides = array<i32>} : memref<128x32xf32, #tpu.memory_space<vmem>>, vector<16xf32>,
        %get3A_507 = arith.index_cast %add3A_500 : i32 to index
        %get3A_508 = arith.constant 0 : index
        %get3A_509 = tpu.vector_load %arg11[%get3A_507, %get3A_508] {strides = array<i32>} : memref<128x32xf32, #tpu.memory_space<vmem>>, vector<16xf32>,
        %get3A_510 = arith.index_cast %add3A_500 : i32 to index
        %get3A_511 = arith.constant 16 : index
        %get3A_512 = tpu.vector_load %arg11[%get3A_510, %get3A_511] {strides = array<i32>} : memref<128x32xf32, #tpu.memory_space<vmem>>, vector<16xf32>,
        %mul3A_513 = arith.mulf %get3A_503, %get3A_512 : vector<16xf32>
        %reduce_sum3A_514 = arith.constant true
        %reduce_sum3A_515 = vector.broadcast %reduce_sum3A_514 : i1 to vector<16xi1>
        %reduce_sum3A_516 = tpu.scan <sum>, %mul3A_513 masked %reduce_sum3A_515 : vector<16xf32>, vector<16xi1> -> vector<16xf32>
        %reduce_sum3A_517 = vector.extract %reduce_sum3A_516[15] : f32 from vector<16xf32>
        %mul3A_518 = arith.mulf %get3A_509, %get3A_506 : vector<16xf32>
        %reduce_sum3A_519 = arith.constant true
        %reduce_sum3A_520 = vector.broadcast %reduce_sum3A_519 : i1 to vector<16xi1>
        %reduce_sum3A_521 = tpu.scan <sum>, %mul3A_518 masked %reduce_sum3A_520 : vector<16xf32>, vector<16xi1> -> vector<16xf32>
        %reduce_sum3A_522 = vector.extract %reduce_sum3A_521[15] : f32 from vector<16xf32>
        %eq3A_523 = arith.constant 12 : i32
        %eq3A_524 = vector.broadcast %eq3A_523 : i32 to vector<16xi32>
        %eq3A_525 = arith.cmpi eq, %iota3A, %eq3A_524 : vector<16xi32>
        %broadcast_in_dim3A_526 = vector.broadcast %reduce_sum3A_517 : f32 to vector<16xf32>
        %select_n3A_527 = arith.select %eq3A_525, %broadcast_in_dim3A_526, %select_n3A_494 : vector<16xi1>, vector<16xf32>
        %broadcast_in_dim3A_528 = vector.broadcast %reduce_sum3A_522 : f32 to vector<16xf32>
        %select_n3A_529 = arith.select %eq3A_525, %broadcast_in_dim3A_528, %select_n3A_496 : vector<16xi1>, vector<16xf32>
        %mul3A_530 = arith.constant 16 : i32
        %mul3A_531 = arith.muli %scan3A_101, %mul3A_530 : i32
        %add3A_532 = arith.constant 13 : i32
        %add3A_533 = arith.addi %mul3A_531, %add3A_532 : i32
        %get3A_534 = arith.index_cast %add3A_533 : i32 to index
        %get3A_535 = arith.constant 0 : index
        %get3A_536 = tpu.vector_load %arg9[%get3A_534, %get3A_535] {strides = array<i32>} : memref<128x32xf32, #tpu.memory_space<vmem>>, vector<16xf32>,
        %get3A_537 = arith.index_cast %add3A_533 : i32 to index
        %get3A_538 = arith.constant 16 : index
        %get3A_539 = tpu.vector_load %arg9[%get3A_537, %get3A_538] {strides = array<i32>} : memref<128x32xf32, #tpu.memory_space<vmem>>, vector<16xf32>,
        %get3A_540 = arith.index_cast %add3A_533 : i32 to index
        %get3A_541 = arith.constant 0 : index
        %get3A_542 = tpu.vector_load %arg11[%get3A_540, %get3A_541] {strides = array<i32>} : memref<128x32xf32, #tpu.memory_space<vmem>>, vector<16xf32>,
        %get3A_543 = arith.index_cast %add3A_533 : i32 to index
        %get3A_544 = arith.constant 16 : index
        %get3A_545 = tpu.vector_load %arg11[%get3A_543, %get3A_544] {strides = array<i32>} : memref<128x32xf32, #tpu.memory_space<vmem>>, vector<16xf32>,
        %mul3A_546 = arith.mulf %get3A_536, %get3A_545 : vector<16xf32>
        %reduce_sum3A_547 = arith.constant true
        %reduce_sum3A_548 = vector.broadcast %reduce_sum3A_547 : i1 to vector<16xi1>
        %reduce_sum3A_549 = tpu.scan <sum>, %mul3A_546 masked %reduce_sum3A_548 : vector<16xf32>, vector<16xi1> -> vector<16xf32>
        %reduce_sum3A_550 = vector.extract %reduce_sum3A_549[15] : f32 from vector<16xf32>
        %mul3A_551 = arith.mulf %get3A_542, %get3A_539 : vector<16xf32>
        %reduce_sum3A_552 = arith.constant true
        %reduce_sum3A_553 = vector.broadcast %reduce_sum3A_552 : i1 to vector<16xi1>
        %reduce_sum3A_554 = tpu.scan <sum>, %mul3A_551 masked %reduce_sum3A_553 : vector<16xf32>, vector<16xi1> -> vector<16xf32>
        %reduce_sum3A_555 = vector.extract %reduce_sum3A_554[15] : f32 from vector<16xf32>
        %eq3A_556 = arith.constant 13 : i32
        %eq3A_557 = vector.broadcast %eq3A_556 : i32 to vector<16xi32>
        %eq3A_558 = arith.cmpi eq, %iota3A, %eq3A_557 : vector<16xi32>
        %broadcast_in_dim3A_559 = vector.broadcast %reduce_sum3A_550 : f32 to vector<16xf32>
        %select_n3A_560 = arith.select %eq3A_558, %broadcast_in_dim3A_559, %select_n3A_527 : vector<16xi1>, vector<16xf32>
        %broadcast_in_dim3A_561 = vector.broadcast %reduce_sum3A_555 : f32 to vector<16xf32>
        %select_n3A_562 = arith.select %eq3A_558, %broadcast_in_dim3A_561, %select_n3A_529 : vector<16xi1>, vector<16xf32>
        %mul3A_563 = arith.constant 16 : i32
        %mul3A_564 = arith.muli %scan3A_101, %mul3A_563 : i32
        %add3A_565 = arith.constant 14 : i32
        %add3A_566 = arith.addi %mul3A_564, %add3A_565 : i32
        %get3A_567 = arith.index_cast %add3A_566 : i32 to index
        %get3A_568 = arith.constant 0 : index
        %get3A_569 = tpu.vector_load %arg9[%get3A_567, %get3A_568] {strides = array<i32>} : memref<128x32xf32, #tpu.memory_space<vmem>>, vector<16xf32>,
        %get3A_570 = arith.index_cast %add3A_566 : i32 to index
        %get3A_571 = arith.constant 16 : index
        %get3A_572 = tpu.vector_load %arg9[%get3A_570, %get3A_571] {strides = array<i32>} : memref<128x32xf32, #tpu.memory_space<vmem>>, vector<16xf32>,
        %get3A_573 = arith.index_cast %add3A_566 : i32 to index
        %get3A_574 = arith.constant 0 : index
        %get3A_575 = tpu.vector_load %arg11[%get3A_573, %get3A_574] {strides = array<i32>} : memref<128x32xf32, #tpu.memory_space<vmem>>, vector<16xf32>,
        %get3A_576 = arith.index_cast %add3A_566 : i32 to index
        %get3A_577 = arith.constant 16 : index
        %get3A_578 = tpu.vector_load %arg11[%get3A_576, %get3A_577] {strides = array<i32>} : memref<128x32xf32, #tpu.memory_space<vmem>>, vector<16xf32>,
        %mul3A_579 = arith.mulf %get3A_569, %get3A_578 : vector<16xf32>
        %reduce_sum3A_580 = arith.constant true
        %reduce_sum3A_581 = vector.broadcast %reduce_sum3A_580 : i1 to vector<16xi1>
        %reduce_sum3A_582 = tpu.scan <sum>, %mul3A_579 masked %reduce_sum3A_581 : vector<16xf32>, vector<16xi1> -> vector<16xf32>
        %reduce_sum3A_583 = vector.extract %reduce_sum3A_582[15] : f32 from vector<16xf32>
        %mul3A_584 = arith.mulf %get3A_575, %get3A_572 : vector<16xf32>
        %reduce_sum3A_585 = arith.constant true
        %reduce_sum3A_586 = vector.broadcast %reduce_sum3A_585 : i1 to vector<16xi1>
        %reduce_sum3A_587 = tpu.scan <sum>, %mul3A_584 masked %reduce_sum3A_586 : vector<16xf32>, vector<16xi1> -> vector<16xf32>
        %reduce_sum3A_588 = vector.extract %reduce_sum3A_587[15] : f32 from vector<16xf32>
        %eq3A_589 = arith.constant 14 : i32
        %eq3A_590 = vector.broadcast %eq3A_589 : i32 to vector<16xi32>
        %eq3A_591 = arith.cmpi eq, %iota3A, %eq3A_590 : vector<16xi32>
        %broadcast_in_dim3A_592 = vector.broadcast %reduce_sum3A_583 : f32 to vector<16xf32>
        %select_n3A_593 = arith.select %eq3A_591, %broadcast_in_dim3A_592, %select_n3A_560 : vector<16xi1>, vector<16xf32>
        %broadcast_in_dim3A_594 = vector.broadcast %reduce_sum3A_588 : f32 to vector<16xf32>
        %select_n3A_595 = arith.select %eq3A_591, %broadcast_in_dim3A_594, %select_n3A_562 : vector<16xi1>, vector<16xf32>
        %mul3A_596 = arith.constant 16 : i32
        %mul3A_597 = arith.muli %scan3A_101, %mul3A_596 : i32
        %add3A_598 = arith.constant 15 : i32
        %add3A_599 = arith.addi %mul3A_597, %add3A_598 : i32
        %get3A_600 = arith.index_cast %add3A_599 : i32 to index
        %get3A_601 = arith.constant 0 : index
        %get3A_602 = tpu.vector_load %arg9[%get3A_600, %get3A_601] {strides = array<i32>} : memref<128x32xf32, #tpu.memory_space<vmem>>, vector<16xf32>,
        %get3A_603 = arith.index_cast %add3A_599 : i32 to index
        %get3A_604 = arith.constant 16 : index
        %get3A_605 = tpu.vector_load %arg9[%get3A_603, %get3A_604] {strides = array<i32>} : memref<128x32xf32, #tpu.memory_space<vmem>>, vector<16xf32>,
        %get3A_606 = arith.index_cast %add3A_599 : i32 to index
        %get3A_607 = arith.constant 0 : index
        %get3A_608 = tpu.vector_load %arg11[%get3A_606, %get3A_607] {strides = array<i32>} : memref<128x32xf32, #tpu.memory_space<vmem>>, vector<16xf32>,
        %get3A_609 = arith.index_cast %add3A_599 : i32 to index
        %get3A_610 = arith.constant 16 : index
        %get3A_611 = tpu.vector_load %arg11[%get3A_609, %get3A_610] {strides = array<i32>} : memref<128x32xf32, #tpu.memory_space<vmem>>, vector<16xf32>,
        %mul3A_612 = arith.mulf %get3A_602, %get3A_611 : vector<16xf32>
        %reduce_sum3A_613 = arith.constant true
        %reduce_sum3A_614 = vector.broadcast %reduce_sum3A_613 : i1 to vector<16xi1>
        %reduce_sum3A_615 = tpu.scan <sum>, %mul3A_612 masked %reduce_sum3A_614 : vector<16xf32>, vector<16xi1> -> vector<16xf32>
        %reduce_sum3A_616 = vector.extract %reduce_sum3A_615[15] : f32 from vector<16xf32>
        %mul3A_617 = arith.mulf %get3A_608, %get3A_605 : vector<16xf32>
        %reduce_sum3A_618 = arith.constant true
        %reduce_sum3A_619 = vector.broadcast %reduce_sum3A_618 : i1 to vector<16xi1>
        %reduce_sum3A_620 = tpu.scan <sum>, %mul3A_617 masked %reduce_sum3A_619 : vector<16xf32>, vector<16xi1> -> vector<16xf32>
        %reduce_sum3A_621 = vector.extract %reduce_sum3A_620[15] : f32 from vector<16xf32>
        %eq3A_622 = arith.constant 15 : i32
        %eq3A_623 = vector.broadcast %eq3A_622 : i32 to vector<16xi32>
        %eq3A_624 = arith.cmpi eq, %iota3A, %eq3A_623 : vector<16xi32>
        %broadcast_in_dim3A_625 = vector.broadcast %reduce_sum3A_616 : f32 to vector<16xf32>
        %select_n3A_626 = arith.select %eq3A_624, %broadcast_in_dim3A_625, %select_n3A_593 : vector<16xi1>, vector<16xf32>
        %broadcast_in_dim3A_627 = vector.broadcast %reduce_sum3A_621 : f32 to vector<16xf32>
        %select_n3A_628 = arith.select %eq3A_624, %broadcast_in_dim3A_627, %select_n3A_595 : vector<16xi1>, vector<16xf32>
        %neg3A = arith.constant 0.000000e+00 : f32
        %neg3A_629 = vector.broadcast %neg3A : f32 to vector<16xf32>
        %neg3A_630 = arith.subf %neg3A_629, %select_n3A_626 : vector<16xf32>
        %exp3A = math.exp %neg3A_630 : vector<16xf32>
        %add3A_631 = arith.constant 1.000000e+00 : f32
        %add3A_632 = vector.broadcast %add3A_631 : f32 to vector<16xf32>
        %add3A_633 = arith.addf %add3A_632, %exp3A : vector<16xf32>
        %div3A = arith.constant 1.000000e+00 : f32
        %div3A_634 = vector.broadcast %div3A : f32 to vector<16xf32>
        %div3A_635 = arith.divf %div3A_634, %add3A_633 : vector<16xf32>
        %neg3A_636 = arith.constant 0.000000e+00 : f32
        %neg3A_637 = vector.broadcast %neg3A_636 : f32 to vector<16xf32>
        %neg3A_638 = arith.subf %neg3A_637, %select_n3A_628 : vector<16xf32>
        %exp3A_639 = math.exp %neg3A_638 : vector<16xf32>
        %add3A_640 = arith.constant 1.000000e+00 : f32
        %add3A_641 = vector.broadcast %add3A_640 : f32 to vector<16xf32>
        %add3A_642 = arith.addf %add3A_641, %exp3A_639 : vector<16xf32>
        %div3A_643 = arith.constant 1.000000e+00 : f32
        %div3A_644 = vector.broadcast %div3A_643 : f32 to vector<16xf32>
        %div3A_645 = arith.divf %div3A_644, %add3A_642 : vector<16xf32>
        %add3A_646 = arith.addf %div3A_635, %div3A_645 : vector<16xf32>
        %mul3A_647 = arith.constant 5.000000e-01 : f32
        %mul3A_648 = vector.broadcast %mul3A_647 : f32 to vector<16xf32>
        %mul3A_649 = arith.mulf %mul3A_648, %add3A_646 : vector<16xf32>
        %mul3A_650 = arith.constant 128 : i32
        %mul3A_651 = arith.muli %add3A_73, %mul3A_650 : i32
        %mul3A_652 = arith.constant 16 : i32
        %mul3A_653 = arith.muli %scan3A_101, %mul3A_652 : i32
        %add3A_654 = arith.addi %mul3A_651, %mul3A_653 : i32
        %swap3A = arith.index_cast %add3A_654 : i32 to index
        %swap3A_655 = tpu.vector_load %arg12[%swap3A] {strides = array<i32>} : memref<10240xf32, #tpu.memory_space<vmem>>, vector<16xf32>,
        tpu.vector_store %arg12[%swap3A], %mul3A_649 {strides = array<i32>} : memref<10240xf32, #tpu.memory_space<vmem>>, vector<16xf32>,
        %scan3A_656 = arith.constant 0 : i32
        scf.yield %scan3A_656 : i32
      }
      %scan3A_92 = arith.constant 8 : i32
      %add3A_93 = arith.constant 2 : i32
      %add3A_94 = arith.addi %add3A_73, %add3A_93 : i32
      %lt3A_95 = arith.constant 80 : i32
      %lt3A_96 = arith.cmpi slt, %add3A_94, %lt3A_95 : i32
      %convert_element_type3A_97 = arith.extui %lt3A_96 : i1 to i32
      %cond3A_98 = arith.constant 0 : i32
      %cond3A_99 = arith.cmpi ne, %convert_element_type3A_97, %cond3A_98 : i32
      scf.if %cond3A_99 {
        %add3A_101 = arith.constant 2 : i32
        %add3A_102 = arith.addi %add3A_73, %add3A_101 : i32
        %dma_start3A_103 = arith.constant 0 : i32
        %dma_start3A_104 = tpu.memref_slice %arg6[%add3A_102, %dma_start3A_103] : memref<80x128xi32, #tpu.memory_space<vmem>> -> memref<1x128xi32, #tpu.memory_space<vmem>>
        %dma_start3A_105 = tpu.memref_squeeze %dma_start3A_104 : memref<1x128xi32, #tpu.memory_space<vmem>> -> memref<128xi32, #tpu.memory_space<vmem>>
        %dma_start3A_106 = arith.constant 0 : i32
        %dma_start3A_107 = arith.constant 0 : i32
        %dma_start3A_108 = tpu.memref_slice %arg13[%dma_start3A_106, %dma_start3A_107] : memref<10000x32xf32, #tpu.memory_space<vmem_shared>> -> memref<10000x32xf32, #tpu.memory_space<vmem_shared>>
        tpu.enqueue_indirect_dma source(%dma_start3A_108 : memref<10000x32xf32, #tpu.memory_space<vmem_shared>>) target(%arg9 : memref<128x32xf32, #tpu.memory_space<vmem>>) offsets(%dma_start3A_105 : memref<128xi32, #tpu.memory_space<vmem>>) semaphore(%arg15 : memref<!tpu.dma_semaphore, #tpu.memory_space<semaphore_mem>>)
        %dma_start3A_109 = arith.constant 0 : i32
        %dma_start3A_110 = tpu.memref_slice %arg7[%add3A_102, %dma_start3A_109] : memref<80x128xi32, #tpu.memory_space<vmem>> -> memref<1x128xi32, #tpu.memory_space<vmem>>
        %dma_start3A_111 = tpu.memref_squeeze %dma_start3A_110 : memref<1x128xi32, #tpu.memory_space<vmem>> -> memref<128xi32, #tpu.memory_space<vmem>>
        %dma_start3A_112 = arith.constant 0 : i32
        %dma_start3A_113 = arith.constant 0 : i32
        %dma_start3A_114 = tpu.memref_slice %arg13[%dma_start3A_112, %dma_start3A_113] : memref<10000x32xf32, #tpu.memory_space<vmem_shared>> -> memref<10000x32xf32, #tpu.memory_space<vmem_shared>>
        tpu.enqueue_indirect_dma source(%dma_start3A_114 : memref<10000x32xf32, #tpu.memory_space<vmem_shared>>) target(%arg11 : memref<128x32xf32, #tpu.memory_space<vmem>>) offsets(%dma_start3A_111 : memref<128xi32, #tpu.memory_space<vmem>>) semaphore(%arg15 : memref<!tpu.dma_semaphore, #tpu.memory_space<semaphore_mem>>)
      } else {
      }
      %scan3A_100 = arith.constant 0 : i32
      scf.yield %scan3A_100 : i32
    }
    %scan3A_37 = arith.constant 40 : i32
    %mul3A_38 = arith.constant 128 : i32
    %mul3A_39 = arith.muli %mul3A_2, %mul3A_38 : i32
    "tpu.region"() ({
      %run_scoped3A = tpu.sem_alloc : memref<!tpu.dma_semaphore, #tpu.memory_space<semaphore_mem>>
      %dma_start3A_40 = tpu.memref_slice %arg5[%mul3A_39] : memref<327680xf32, #tpu.memory_space<hbm>> -> memref<10240xf32, #tpu.memory_space<hbm>>
      %dma_start3A_41 = tpu.memref_slice %arg5[%mul3A_39] : memref<327680xf32, #tpu.memory_space<hbm>> -> memref<10240xf32, #tpu.memory_space<hbm>>
      tpu.enqueue_dma source(%arg12 : memref<10240xf32, #tpu.memory_space<vmem>>) target(%dma_start3A_41 : memref<10240xf32, #tpu.memory_space<hbm>>) target_semaphore(%run_scoped3A : memref<!tpu.dma_semaphore, #tpu.memory_space<semaphore_mem>>)
      %dma_wait3A = tpu.memref_slice %arg5[%mul3A_39] : memref<327680xf32, #tpu.memory_space<hbm>> -> memref<10240xf32, #tpu.memory_space<hbm>>
      %dma_wait3A_42 = tpu.memref_slice %arg5[%mul3A_39] : memref<327680xf32, #tpu.memory_space<hbm>> -> memref<10240xf32, #tpu.memory_space<hbm>>
      tpu.wait_dma2 semaphore(%run_scoped3A : memref<!tpu.dma_semaphore, #tpu.memory_space<semaphore_mem>>) src(%arg12 : memref<10240xf32, #tpu.memory_space<vmem>>) dst(%dma_wait3A_42 : memref<10240xf32, #tpu.memory_space<hbm>>)
      tpu.yield
    }) : () -> ()
    return
  }
}

module attributes {stable_mosaic.version = 14 : i64} {
  func.func @_tc_body(%arg0: memref<10000x128xf32, #tpu.memory_space<vmem>>, %arg1: memref<10000x16xf32, #tpu.memory_space<vmem>>, %arg2: memref<16x128xf32, #tpu.memory_space<vmem>>, %arg3: memref<10000x32xf32, #tpu.memory_space<vmem>>) attributes {dimension_semantics = [], scalar_prefetch = 0 : i64, scratch_operands = 0 : i64, tpu.core_type = #tpu.core_type<tc>} {
    %get3A = arith.constant 0 : index
    %get3A_0 = arith.constant 0 : index
    %get3A_1 = vector.load %arg0[%get3A, %get3A_0] : memref<10000x128xf32, #tpu.memory_space<vmem>>, vector<10000x128xf32>
    %get3A_2 = arith.constant 0 : index
    %get3A_3 = arith.constant 0 : index
    %get3A_4 = vector.load %arg2[%get3A_2, %get3A_3] : memref<16x128xf32, #tpu.memory_space<vmem>>, vector<16x128xf32>
    %dot_general3A = arith.constant dense<0.000000e+00> : vector<10000x16xf32>
    %dot_general3A_5 = tpu.matmul %get3A_1, %get3A_4, %dot_general3A {dimension_numbers = #tpu.dot_dimension_numbers<[1], [1], [0], [0], [0, 0, 1, 0], [], []>, precision = #tpu.contract_precision<fp32>, transpose_lhs_hint = false} : vector<10000x128xf32>, vector<16x128xf32>, vector<10000x16xf32> -> vector<10000x16xf32>
    %swap3A = arith.constant 0 : index
    %swap3A_6 = arith.constant 0 : index
    %swap3A_7 = vector.load %arg3[%swap3A, %swap3A_6] : memref<10000x32xf32, #tpu.memory_space<vmem>>, vector<10000x16xf32>
    tpu.vector_store %arg3[%swap3A, %swap3A_6], %dot_general3A_5 {strides = array<i32>} : memref<10000x32xf32, #tpu.memory_space<vmem>>, vector<10000x16xf32>,
    %get3A_8 = arith.constant 0 : index
    %get3A_9 = arith.constant 0 : index
    %get3A_10 = vector.load %arg1[%get3A_8, %get3A_9] : memref<10000x16xf32, #tpu.memory_space<vmem>>, vector<10000x16xf32>
    %swap3A_11 = arith.constant 0 : index
    %swap3A_12 = arith.constant 16 : index
    %swap3A_13 = vector.load %arg3[%swap3A_11, %swap3A_12] : memref<10000x32xf32, #tpu.memory_space<vmem>>, vector<10000x16xf32>
    tpu.vector_store %arg3[%swap3A_11, %swap3A_12], %get3A_10 {strides = array<i32>} : memref<10000x32xf32, #tpu.memory_space<vmem>>, vector<10000x16xf32>,
    return
  }
}

</mosaic_0001>

<sc_bundles>
// kernel: kernel.4.cloned.1.call-start
scs
__scs_entry_jumppad:
0x0: {  	(pc) =	sbr.rel $0x88, $3  }
0x1: {  	(tag) =	ssettag $0x0;
	lr =	simm.s32 $0x1  }
0x2: {  	[smem:$0x3F9D] =	sst lr;
	_ =	strace $0xD0000000  }
0x3: {  	_ = 	snop  }
0x4: {  	_ = 	snop  }
0x5: {  	_ = 	snop  }
0x6: {  	_ = 	snop  }
0x7: {  	_ = 	snop  }
__scs_overlays_trampoline_lowered:
0x8: {  	[smem:$0x3FAC] =	sst s0  }
0x9: {  	[smem:$0x3FAD] =	sst s1  }
0xa: {  	[smem:$0x3FAE] =	sst s2  }
0xb: {  	[smem:$0x3FAF] =	sst s3  }
0xc: {  	[smem:$0x3FB0] =	sst s4  }
0xd: {  	[smem:$0x3FB1] =	sst s5  }
0xe: {  	[smem:$0x3FB2] =	sst s6  }
0xf: {  	[smem:$0x3FB3] =	sst s7  }
0x10: {  	[smem:$0x3FB4] =	sst s8  }
0x11: {  	[smem:$0x3FB5] =	sst s9;
	s0 =	simm.s32 @!p0 $0x0  }
0x12: {  	s1 =	sld [smem:$0x3F9B];
	s0 =	simm.s32 @p0 $0x1  }
0x13: {  	[smem:$0x3FB6] =	sst s0;
	s0 =	simm.s32 @!p1 $0x0  }
0x14: {  	s2 =	sld [smem:$0x3F9A];
	s0 =	simm.s32 @p1 $0x1  }
0x15: {  	[smem:$0x3FB7] =	sst s0;
	s0 =	simm.s32 @!p2 $0x0  }
0x16: {  	s3 =	sld [smem:$0x3FDB];
	s0 =	simm.s32 @p2 $0x1  }
0x17: {  	s4 =	simm.s32 $0x1BF5;
	[smem:$0x3FB9] =	sst s0  }
0x18: {  	s0 =	sld [smem:$0x3F9C];
	_ =	swait.ge [sflag:s4], $0x0  }
0x19: {  	s7 =	sld [smem:$0x3F9D]  }
0x1a: {  	s8 =	sadd.s32 $0xFFFFE003, lr  }
0x1b: {  	s9 =	sadd.s32 $0xFFFFFEF7, lr;
	s5 =	simm.s32 $0xFFFFFFFF;
	p2 =	slt.u32 s8, $0xFFFFF086  }
0x1c: {  	p1 =	slt.u32 s9, $0xF7A;
	s5 =	simm.s32 @!p2 $0x0  }
0x1d: {  	s5 =	simm.s32 @p1 $0x1;
	p0 =	seq.s32 s7, s2  }
0x1e: {  	s7 =	smul.u32 @!p0 $0xF7A, s2;
	p2 =	seq.s32 @!p0 s5, $0x0  }
0x1f: {  	s9 =	smul.u32 $0xF7A, s1;
	s8 =	simm.s32 @!p0 $0x1BF5;
	p2 =	por !p2, p0  }
0x20: {  	[sflag:s8] =	ssyncset.s32 @!p0 $0xFFFFF086;
	s6 =	sadd.s32 @!p0 s3, s7;
	s7 =	simm.s32 @!p0 $0x108  }
0x21: {  	s3 =	sadd.s32 s3, s9;
	s6 =	sadd.s32 @!p0 $0x88, s6;
	s7 =	simm.s32 @p2 $0x1082  }
0x22: {  	[simem:s7], [sflag:s8] =	dma.local @!p0 [hbm:s6], $0xF7A  }
0x23: {  	s9 =	sor.u32 $0xD0000000, s2;
	s6 =	simm.s32 $0x108;
	_ =	swait.ge @!p0 [sflag:s8], $0x0  }
0x24: {  	s3 =	sadd.s32 $0x88, s3;
	s6 =	simm.s32 @!p1 $0x1082;
	[sflag:s4] =	ssyncset.s32 $0xFFFFF086  }
0x25: {  	[simem:s6], [sflag:s4] =	dma.local [hbm:s3], $0xF7A  }
0x26: {  	[smem:$0x3F9D] =	sst s1;
	(tag) =	ssettag s2;
	_ =	strace s9  }
0x27: {  	s1 =	sld [smem:$0x3FAD]  }
0x28: {  	s2 =	sld [smem:$0x3FAE]  }
0x29: {  	s4 =	sld [smem:$0x3FB0]  }
0x2a: {  	p0 =	seq.s32 s5, $0x0;
	s5 =	sld [smem:$0x3FB1]  }
0x2b: {  	s6 =	sld [smem:$0x3FB2]  }
0x2c: {  	s7 =	sld [smem:$0x3FB3]  }
0x2d: {  	s3 =	simm.s32 $0x108;
	s8 =	sld [smem:$0x3FB4]  }
0x2e: {  	s3 =	simm.s32 @!p0 $0x1082;
	s9 =	sld [smem:$0x3FB5]  }
0x2f: {  	lr =	sadd.s32 s0, s3;
	s0 =	sld [smem:$0x3FAC]  }
0x30: {  	s3 =	sld [smem:$0x3FAF]  }
0x31: {  	[smem:$0x3FB8] =	sst s10  }
0x32: {  	s10 =	sld [smem:$0x3FB6];
	_ =	sdelay $0x3  }
0x33: {  	p0 =	seq.s32 s10, $0x1;
	s10 =	sld [smem:$0x3FB8];
	_ =	sdelay $0x3  }
0x34: {  	[smem:$0x3FB8] =	sst s10  }
0x35: {  	s10 =	sld [smem:$0x3FB7];
	_ =	sdelay $0x3  }
0x36: {  	p1 =	seq.s32 s10, $0x1;
	s10 =	sld [smem:$0x3FB8];
	_ =	sdelay $0x3  }
0x37: {  	[smem:$0x3FB8] =	sst s10  }
0x38: {  	s10 =	sld [smem:$0x3FB9]  }
0x39: {  	_ = 	snop;
	(pc) =	sbr.ind lr, $3  }
0x3a: {  	_ = 	snop  }
0x3b: {  	_ = 	snop  }
0x3c: {  	p2 =	seq.s32 s10, $0x1;
	s10 =	sld [smem:$0x3FB8]  }
0x3d: {  	_ =	shalt  }
0x3e: {  	_ =	shalt  }
0x3f: {  	_ =	shalt  }
0x40: {  	_ =	shalt  }
0x41: {  	_ =	shalt  }
0x42: {  	_ =	shalt  }
0x43: {  	_ =	shalt  }
0x44: {  	_ =	shalt  }
0x45: {  	_ =	shalt  }
0x46: {  	_ =	shalt  }
0x47: {  	_ =	shalt  }
0x48: {  	_ =	shalt  }
0x49: {  	_ =	shalt  }
0x4a: {  	_ =	shalt  }
0x4b: {  	_ =	shalt  }
0x4c: {  	_ =	shalt  }
0x4d: {  	_ =	shalt  }
0x4e: {  	_ =	shalt  }
0x4f: {  	_ =	shalt  }
0x50: {  	_ =	shalt  }
0x51: {  	_ =	shalt  }
0x52: {  	_ =	shalt  }
0x53: {  	_ =	shalt  }
0x54: {  	_ =	shalt  }
0x55: {  	_ =	shalt  }
0x56: {  	_ =	shalt  }
0x57: {  	_ =	shalt  }
0x58: {  	_ =	shalt  }
0x59: {  	_ =	shalt  }
0x5a: {  	_ =	shalt  }
0x5b: {  	_ =	shalt  }
0x5c: {  	_ =	shalt  }
0x5d: {  	_ =	shalt  }
0x5e: {  	_ =	shalt  }
0x5f: {  	_ =	shalt  }
0x60: {  	_ =	shalt  }
0x61: {  	_ =	shalt  }
0x62: {  	_ =	shalt  }
0x63: {  	_ =	shalt  }
0x64: {  	_ =	shalt  }
0x65: {  	_ =	shalt  }
0x66: {  	_ =	shalt  }
0x67: {  	_ =	shalt  }
0x68: {  	_ =	shalt  }
0x69: {  	_ =	shalt  }
0x6a: {  	_ =	shalt  }
0x6b: {  	_ =	shalt  }
0x6c: {  	_ =	shalt  }
0x6d: {  	_ =	shalt  }
0x6e: {  	_ =	shalt  }
0x6f: {  	_ =	shalt  }
0x70: {  	_ =	shalt  }
0x71: {  	_ =	shalt  }
0x72: {  	_ =	shalt  }
0x73: {  	_ =	shalt  }
0x74: {  	_ =	shalt  }
0x75: {  	_ =	shalt  }
0x76: {  	_ =	shalt  }
0x77: {  	_ =	shalt  }
0x78: {  	_ =	shalt  }
0x79: {  	_ =	shalt  }
0x7a: {  	_ =	shalt  }
0x7b: {  	_ =	shalt  }
0x7c: {  	_ =	shalt  }
0x7d: {  	_ =	shalt  }
0x7e: {  	_ =	shalt  }
0x7f: {  	_ =	shalt  }
0x80: {  	_ =	shalt  }
0x81: {  	_ =	shalt  }
0x82: {  	_ =	shalt  }
0x83: {  	_ =	shalt  }
0x84: {  	_ =	shalt  }
0x85: {  	_ =	shalt  }
0x86: {  	_ =	shalt  }
0x87: {  	_ =	shalt  }
.Lfunc_end0:
.L_simem_size_0:
called_computation_lowered:
.L_overlay_start_0:
0x88: {  	s2 =	sld [smem:$0x3FD9]  }
0x89: {  	s3 =	sld [smem:$0x3FFE];
	_ =	sdelay $0x1  }
0x8a: {  	s1 =	srdreg.scid  }
0x8b: {  	s0 =	sand.u32 $0x1, s1  }
0x8c: {  	s17 =	sshll.u32 s0, $0xA;
	s2 =	sadd.s32 s3, s2  }
0x8d: {  	s2 =	sadd.s32 s2, s17  }
0x8e: {  	[smem:$0x3FC4] =	sst s2  }
0x8f: {  	_ = 	snop  }
0x90: {  	s2 =	sld [smem:$0x3FD0];
	(tm) =	ssettm $0x1  }
0x91: {  	s18 =	sld [smem:$0x3FFB];
	_ =	sdelay $0x3  }
0x92: {  	_ =	strace s18  }
0x93: {  	s3 =	sld [smem:$0x3FFC];
	_ =	sdelay $0x3  }
0x94: {  	_ =	strace s3  }
0x95: {  	s3 =	sld [smem:$0x3FFD];
	_ =	sdelay $0x3  }
0x96: {  	_ =	strace s3  }
0x97: {  	_ =	strace $0x8FFFFFFF  }
0x98: {  	s19 =	sld [smem:$0x3FDB];
	_ =	sdelay $0x1  }
0x99: {  	s4 =	simm.s32 $_scs_section_size  }
0x9a: {  	s5 =	simm.s32 $_size__tile_overlayer_lowered;
	s6 =	simm.s32 $_tile_overlayer_lowered  }
0x9b: {  	s22 =	simm.s32 $0x1BFF;
	s21 =	sshll.u32 s6, $0x1;
	s3 =	sadd.s32 s4, s19  }
0x9c: {  	s7 =	simm.s32 $0x0;
	s20 =	sshll.u32 s5, $0x1;
	s5 =	sadd.s32 s21, s3  }
0x9d: {  	[timem:s7], [sflag:s22] =	dma.local [hbm:s5], s20  }
0x9e: {  	_ =	swait.ge [sflag:s22], s20  }
0x9f: {  	s4 =	ssub.s32 $0x0, s20;
	[sflag:s22] =	ssyncset.done $0x0  }
0xa0: {  	[sflag:s22] =	ssyncadd.s32 s4;
	_ =	sdelay $0x1  }
0xa1: {  	s23 =	simm.s32 $0x1B8B  }
0xa2: {  	_ =	swait.ge [sflag:s23], $0x1  }
0xa3: {  	[sflag:s23] =	ssyncset.done $0x0  }
0xa4: {  	s25 =	simm.s32 $0x1B8E;
	s24 =	sld [smem:$0x3FFE];
	[sflag:s23] =	ssyncadd.s32 $0xFFFFFFFF  }
0xa5: {  	s26 =	simm.s32 $execute0_lowered;
	[smem:$0x3FD2] =	sst s25  }
0xa6: {  	s5 =	sshll.u32 s26, $0x1;
	_ =	strace $0x80000046;
	[dreg:$0x1] =	wrdreg $0xFFFFFFFF  }
0xa7: {  	s28 =	simm.s32 $_size_execute0_lowered;
	s3 =	sadd.s32 s3, s5;
	[dreg:$0x0] =	wrdreg $0x0  }
0xa8: {  	s5 =	sshll.u32 s28, $0x1;
	[dreg:$0x2] =	wrdreg s3  }
0xa9: {  	[dreg:$0x3] =	wrdreg s5  }
0xaa: {  	[dreg:$0x4] =	wrdreg $0xC0  }
0xab: {  	_ =	task [dreg:s7], $0x5FFFF  }
0xac: {  	[dreg:$0x1] =	wrdreg $0xFFFFFFFF  }
0xad: {  	[dreg:$0x0] =	wrdreg $0x60  }
0xae: {  	[dreg:$0x2] =	wrdreg s2  }
0xaf: {  	[dreg:$0x3] =	wrdreg s24  }
0xb0: {  	[dreg:$0x4] =	wrdreg $0xB8000  }
0xb1: {  	[dreg:$0x5] =	wrdreg $0x9  }
0xb2: {  	_ =	task.clear_ibuf [dreg:s7], $0x6FFFF;
	_ =	strace $0x90000046  }
0xb3: {  	s29 =	simm.s32 $0x9;
	_ =	strace $0x80000048  }
0xb4: {  	_ =	swait.ge [sflag:s29], $0x1  }
0xb5: {  	[sflag:s29] =	ssyncadd.s32 $0xFFFFFFFF  }
0xb6: {  	_ =	strace $0x90000048  }
0xb7: {  	_ =	sfence  }
0xb8: {  	s30 =	sld [smem:$0x0];
	_ =	sdelay $0x2  }
0xb9: {  	s31 =	sshll.u32 s1, $0xD;
	s1 =	sshrl.u32 s1, $0x2  }
0xba: {  	s3 =	sand.u32 $0x4000, s31;
	s1 =	sadd.s32 s1, s30  }
0xbb: {  	s0 =	sor.u32 s3, s0;
	s1 =	sshll.u32 s1, $0x11  }
0xbc: {  	s0 =	sor.u32 s1, s0  }
0xbd: {  	s0 =	sadd.s32 $0x8F2B, s0  }
0xbe: {  	[sflag:s0] =	ssyncadd.remote.s32 $0x1  }
0xbf: {  	_ =	sfence.sel $0xFFFF  }
0xc0: {  	[dreg:$0x0] =	wrdreg $0xFFFFFFFF;
	(pc) =	sbr.abs _section_cstart, $3  }
0xc1: {  	[dreg:$0x1] =	wrdreg $0xFFFFFFFF  }
0xc2: {  	_ =	task.clear_ibuf [dreg:s7], $0x2FFFF;
	_ =	strace $0x9FFFFFFF  }
0xc3: {  	(tm) =	ssettm $0x7FFFFFFF  }
tec
execute0_lowered:
.L_overlay_start_1:
0x0: {  	(tag) =	ssettag $0x1  }
0x1: {  	s0 =	rddreg [dreg:$0x0]  }
0x2: {  	s4 =	rddreg [dreg:$0x1];
	s1 =	srdreg.scid  }
0x3: {  	s6 =	stileid.u32;
	s2 =	rddreg [dreg:$0x2];
	s9 =	simm.s32 $0x3  }
0x4: {  	s10 =	simm.s32 $0x2800;
	s11 =	simm.s32 $0x80;
	s12 =	simm.s32 $0x5000  }
0x5: {  	s13 =	simm.s32 $0x7000;
	s14 =	simm.s32 $0x6000;
	s15 =	simm.s32 $0x2880  }
0x6: {  	s16 =	simm.s32 $0x8000;
	s5 =	sand.u32 $0x1, s1;
	s3 =	sshll.u32 s6, $0x1  }
0x7: {  	s17 =	simm.s32 $0x1;
	s18 =	simm.s32 $0x2;
	s7 =	sor.u32 s5, s3  }
0x8: {  	s19 =	simm.s32 $0x9000;
	s20 =	simm.s32 $0x0;
	s7 =	smul.u32 $0x500, s7  }
.Ltmp0:
0x9: {  	vm0 =	vmmov $0x1;
	vm1 =	vmmov $0x3;
	vm2 =	vmmov $0x7;
	s1 =	rddreg [dreg:$0x3];
	s3 =	simm.s32 $0x0;
	(pc) =	sbr.rel .LBB2_1-.Ltmp0, $4  }
0xa: {  	vm3 =	vmmov $0xf;
	vm4 =	vmmov $0x1f;
	vm5 =	vmmov $0x3f;
	p0 =	sne.s32 s6, $0x0;
	s5 =	ssub.s32 $0x2, s5;
	[smem:$0x7FF] =	sst s3  }
0xb: {  	vm6 =	vmmov $0x7f;
	vm7 =	vmmov $0xff;
	vm8 =	vmmov $0x1ff;
	s8 =	sshrl.u32 s5, $0x1;
	_ =	strace $0x80000047;
	s7 =	sadd.s32 s7, s4  }
0xc: {  	vm9 =	vmmov $0x3ff;
	vm10 =	vmmov $0x7ff;
	vm11 =	vmmov $0xfff;
	s8 =	ssub.s32 s5, s8;
	s4 =	sadd.s32 $0x200, s7;
	s5 =	sadd.s32 $0xA200, s7  }
0xd: {  	vm12 =	vmmov $0x1fff;
	vm13 =	vmmov $0x3fff;
	vm14 =	vmmov $0x7fff;
	s6 =	sadd.s32 $0x14200, s7;
	s7 =	smax.u32 s8, $0x1;
	s8 =	sshrl.u32 @!p0 s2, $0x3  }
.LBB2_8:
0xe: {  	s20 =	sadd.s32 $0x1, s20  }
0xf: {  	p1 =	sne.s32 s20, s7  }
.Ltmp1:
0x10: {  	_ = 	snop;
	(pc) =	sbr.rel @!p1 .LBB2_9-.Ltmp1, $4  }
0x11: {  	[hbm4b:s6+s3] =	stream.linear.scatter [tilespmem:s19], [sflag:$0x3], $0x2800, $0x38;
	[tilespmem:$0x10620] =	vst v63  }
0x12: {  	_ =	swait.ge [sflag:s9], $0x2800  }
0x13: {  	[sflag:s9] =	ssyncset.done $0x0  }
0x14: {  	[sflag:s9] =	ssyncadd.s32 $0xFFFFD800  }
.LBB2_1:
0x15: {  	s21 =	simm.s32 @!p0 $0x1C03  }
0x16: {  	[spmem:s8], [sflag:s21] =	dma.local @!p0 [hbm:s0], $0x9C40  }
0x17: {  	s21 =	simm.s32 @!p0 $0x3  }
0x18: {  	_ =	swait.ge @!p0 [sflag:s21], $0x9C40  }
0x19: {  	[sflag:s21] =	ssyncset.done @!p0 $0x0  }
0x1a: {  	[sflag:s21] =	ssyncadd.s32 @!p0 $0xFFFF63C0  }
0x1b: {  	[tilespmem:s3], [sflag:$0x3] =	stream.linear.gather [hbm4b:s4+s3], $0x2800, $0x38;
	[tilespmem:$0x10620] =	vst v63  }
0x1c: {  	_ =	swait.ge [sflag:s9], $0x2800  }
0x1d: {  	[sflag:s9] =	ssyncset.done $0x0  }
0x1e: {  	[sflag:s9] =	ssyncadd.s32 $0xFFFFD800  }
0x1f: {  	[tilespmem:s10], [sflag:$0x3] =	stream.linear.gather [hbm4b:s5+s3], $0x2800, $0x38;
	[tilespmem:$0x10620] =	vst v63  }
0x20: {  	_ =	swait.ge [sflag:s9], $0x2800  }
0x21: {  	[sflag:s9] =	ssyncset.done $0x0  }
0x22: {  	[sflag:s9] =	ssyncadd.s32 $0xFFFFD800  }
0x23: {  	[bflag:$0x0] =	sbarrier.arrive $0xFFFF  }
0x24: {  	[tilespmem:s12], [sflag:$0x1] =	stream.indirect.gather [spmem:s2], $0x20, s3, s11, $0xb8;
	[tilespmem:$0x10620] =	vst v63  }
0x25: {  	_ = 	snop  }
0x26: {  	[tilespmem:s13], [sflag:$0x1] =	stream.indirect.gather [spmem:s2], $0x20, s10, s11, $0xb8;
	[tilespmem:$0x10620] =	vst v63  }
0x27: {  	_ = 	snop  }
0x28: {  	[tilespmem:s14], [sflag:$0x2] =	stream.indirect.gather [spmem:s2], $0x20, s11, s11, $0xb8;
	[tilespmem:$0x10620] =	vst v63  }
0x29: {  	s22 =	simm.s32 $0x9000;
	s23 =	simm.s32 $0x0;
	s21 =	simm.s32 $0x9080  }
0x2a: {  	[tilespmem:s16], [sflag:$0x2] =	stream.indirect.gather [spmem:s2], $0x20, s15, s11, $0xb8;
	[tilespmem:$0x10620] =	vst v63  }
.LBB2_2:
0x2b: {  	_ =	swait.ge [sflag:s17], $0x1000  }
0x2c: {  	[sflag:s17] =	ssyncset.done $0x0  }
0x2d: {  	[sflag:s17] =	ssyncadd.s32 $0xFFFFF000  }
0x2e: {  	_ =	swait.ge [sflag:s17], $0x1000  }
0x2f: {  	[sflag:s17] =	ssyncset.done $0x0  }
0x30: {  	s24 =	simm.s32 $0x0;
	s25 =	smov.u32 s22;
	[sflag:s17] =	ssyncadd.s32 $0xFFFFF000  }
.LBB2_3:
0x31: {  	s26 =	sshra.s32 s24, $0x2  }
0x32: {  	v0 =	vld [tilespmem:s26+$0x5000]  }
0x33: {  	v1 =	vld [tilespmem:s26+$0x5010]  }
0x34: {  	v2 =	vld [tilespmem:s26+$0x7000]  }
0x35: {  	v3 =	vld [tilespmem:s26+$0x7010]  }
0x36: {  	v4 =	vld [tilespmem:s26+$0x5020]  }
0x37: {  	v5 =	vld [tilespmem:s26+$0x5030]  }
0x38: {  	v6 =	vld [tilespmem:s26+$0x7020]  }
0x39: {  	v7 =	vld [tilespmem:s26+$0x7030]  }
0x3a: {  	v8 =	vld [tilespmem:s26+$0x5040]  }
0x3b: {  	v9 =	vld [tilespmem:s26+$0x5050]  }
0x3c: {  	v10 =	vld [tilespmem:s26+$0x7040]  }
0x3d: {  	v11 =	vld [tilespmem:s26+$0x7050]  }
0x3e: {  	v12 =	vld [tilespmem:s26+$0x5060]  }
0x3f: {  	v13 =	vld [tilespmem:s26+$0x5070]  }
0x40: {  	v14 =	vld [tilespmem:s26+$0x7060]  }
0x41: {  	v15 =	vld [tilespmem:s26+$0x7070]  }
0x42: {  	v16 =	vld [tilespmem:s26+$0x5080]  }
0x43: {  	v17 =	vld [tilespmem:s26+$0x5090]  }
0x44: {  	v18 =	vld [tilespmem:s26+$0x7080]  }
0x45: {  	v19 =	vld [tilespmem:s26+$0x7090]  }
0x46: {  	v20 =	vld [tilespmem:s26+$0x50A0]  }
0x47: {  	v21 =	vld [tilespmem:s26+$0x50B0]  }
0x48: {  	v22 =	vld [tilespmem:s26+$0x70A0]  }
0x49: {  	v23 =	vld [tilespmem:s26+$0x70B0]  }
0x4a: {  	v24 =	vld [tilespmem:s26+$0x50C0]  }
0x4b: {  	v25 =	vld [tilespmem:s26+$0x50D0]  }
0x4c: {  	v26 =	vld [tilespmem:s26+$0x70C0]  }
0x4d: {  	v27 =	vld [tilespmem:s26+$0x70D0]  }
0x4e: {  	v28 =	vld [tilespmem:s26+$0x50E0]  }
0x4f: {  	v29 =	vld [tilespmem:s26+$0x50F0]  }
0x50: {  	v30 =	vld [tilespmem:s26+$0x70E0]  }
0x51: {  	v31 =	vld [tilespmem:s26+$0x70F0]  }
0x52: {  	v32 =	vld [tilespmem:s26+$0x5100]  }
0x53: {  	v33 =	vld [tilespmem:s26+$0x5110]  }
0x54: {  	v34 =	vld [tilespmem:s26+$0x7100]  }
0x55: {  	v35 =	vld [tilespmem:s26+$0x5130];
	v0 =	vmul.f32 v3, v0  }
0x56: {  	v37 =	vld [tilespmem:s26+$0x7120];
	v1 =	vmul.f32 v2, v1  }
0x57: {  	v39 =	vld [tilespmem:s26+$0x7130];
	v63 =	vmul.f32 v7, v4;
	(xrf2) =	vadd.scan.msk.f32 $0xffff, v0  }
0x58: {  	v41 =	vld [tilespmem:s26+$0x5140];
	v36 =	vmul.f32 v6, v5;
	(xrf2) =	vadd.scan.msk.f32 $0xffff, v1  }
0x59: {  	v43 =	vld [tilespmem:s26+$0x5150];
	v38 =	vmul.f32 v11, v8;
	(xrf2) =	vadd.scan.msk.f32 $0xffff, v63  }
0x5a: {  	v45 =	vld [tilespmem:s26+$0x7140];
	v40 =	vmul.f32 v10, v9;
	(xrf2) =	vadd.scan.msk.f32 $0xffff, v36  }
0x5b: {  	v47 =	vld [tilespmem:s26+$0x7150];
	v42 =	vmul.f32 v15, v12;
	(xrf2) =	vadd.scan.msk.f32 $0xffff, v38  }
0x5c: {  	v49 =	vld [tilespmem:s26+$0x5160];
	v44 =	vmul.f32 v14, v13;
	(xrf2) =	vadd.scan.msk.f32 $0xffff, v40  }
0x5d: {  	v51 =	vld [tilespmem:s26+$0x5170];
	v46 =	vmul.f32 v19, v16;
	(xrf2) =	vadd.scan.msk.f32 $0xffff, v42  }
0x5e: {  	v53 =	vld [tilespmem:s26+$0x7160];
	v48 =	vmul.f32 v18, v17;
	(xrf2) =	vadd.scan.msk.f32 $0xffff, v44  }
0x5f: {  	v55 =	vld [tilespmem:s26+$0x7170];
	v50 =	vmul.f32 v23, v20;
	(xrf2) =	vadd.scan.msk.f32 $0xffff, v46  }
0x60: {  	v3 =	vld [tilespmem:s26+$0x7110];
	v52 =	vmul.f32 v22, v21;
	(xrf2) =	vadd.scan.msk.f32 $0xffff, v48  }
0x61: {  	v57 =	vld [tilespmem:s26+$0x5180];
	v54 =	vmul.f32 v27, v24;
	v14, _, _ =	vpop (xrf2);
	(xrf2) =	vadd.scan.msk.f32 $0xffff, v50  }
0x62: {  	v2 =	vld [tilespmem:s26+$0x5120];
	v56 =	vmul.f32 v26, v25;
	v16, _, _ =	vpop (xrf2);
	(xrf2) =	vadd.scan.msk.f32 $0xffff, v52  }
0x63: {  	v60 =	vld [tilespmem:s26+$0x5190];
	v59 =	vmul.f32 v31, v28;
	v58, _, _ =	vpop (xrf2);
	(xrf2) =	vadd.scan.msk.f32 $0xffff, v54  }
0x64: {  	v62 =	vld [tilespmem:s26+$0x7180];
	v61 =	vmul.f32 v30, v29;
	v20, _, _ =	vpop (xrf2);
	(xrf2) =	vadd.scan.msk.f32 $0xffff, v56  }
0x65: {  	v29 =	vld [tilespmem:s26+$0x7190];
	v28 =	vmul.f32 v3, v32;
	v63, _, _ =	vpop (xrf2);
	(xrf2) =	vadd.scan.msk.f32 $0xffff, v59  }
0x66: {  	v30 =	vmul.f32 v34, v33;
	v31 =	vld [tilespmem:s26+$0x51A0];
	v23, _, _ =	vpop (xrf2);
	(xrf2) =	vadd.scan.msk.f32 $0xffff, v61  }
0x67: {  	v34 =	vld [tilespmem:s26+$0x51B0];
	v33 =	vmul.f32 v39, v2;
	v32, _, _ =	vpop (xrf2);
	(xrf2) =	vadd.scan.msk.f32 $0xffff, v28  }
0x68: {  	v35 =	vmul.f32 v37, v35;
	v36 =	vld [tilespmem:s26+$0x71A0];
	v6, _, _ =	vpop (xrf2);
	(xrf2) =	vadd.scan.msk.f32 $0xffff, v30  }
0x69: {  	v39 =	vld [tilespmem:s26+$0x71B0];
	v38 =	vmul.f32 v47, v41;
	v37, _, _ =	vpop (xrf2);
	(xrf2) =	vadd.scan.msk.f32 $0xffff, v33  }
0x6a: {  	v41 =	vld [tilespmem:s26+$0x51C0];
	v40 =	vmul.f32 v45, v43;
	v10, _, _ =	vpop (xrf2);
	(xrf2) =	vadd.scan.msk.f32 $0xffff, v35  }
0x6b: {  	v43 =	vmul.f32 v55, v49;
	v49 =	vld [tilespmem:s26+$0x71C0];
	v42, _, _ =	vpop (xrf2);
	(xrf2) =	vadd.scan.msk.f32 $0xffff, v38  }
0x6c: {  	v45 =	vmul.f32 v53, v51;
	v46 =	vld [tilespmem:s26+$0x71D0];
	v15, _, _ =	vpop (xrf2);
	(xrf2) =	vadd.scan.msk.f32 $0xffff, v40  }
0x6d: {  	v51 =	vld [tilespmem:s26+$0x51E0];
	v48 =	vmul.f32 v29, v57;
	v47, _, _ =	vpop (xrf2);
	(xrf2) =	vadd.scan.msk.f32 $0xffff, v43  }
0x6e: {  	v44 =	vld [tilespmem:s26+$0x51D0];
	v50 =	vmul.f32 v62, v60;
	v17, _, _ =	vpop (xrf2);
	(xrf2) =	vadd.scan.msk.f32 $0xffff, v45  }
0x6f: {  	v53 =	vmul.f32 v39, v31;
	v54 =	vld [tilespmem:s26+$0x71F0];
	v52, _, _ =	vpop (xrf2);
	(xrf2) =	vadd.scan.msk.f32 $0xffff, v48  }
0x70: {  	v2 =	vmul.f32 v36, v34;
	v56 =	vbroadcast v14, $0xF;
	v55, _, _ =	vpop (xrf2);
	(xrf2) =	vadd.scan.msk.f32 $0xffff, v50  }
0x71: {  	v58 =	vbroadcast v58, $0xF;
	v8 =	vmul.f32 v46, v41;
	v57, _, _ =	vpop (xrf2);
	(xrf2) =	vadd.scan.msk.f32 $0xffff, v53  }
0x72: {  	v60 =	vbroadcast v63, $0xF;
	v59, _, _ =	vpop (xrf2);
	(xrf2) =	vadd.scan.msk.f32 $0xffff, v2  }
0x73: {  	v3 =	vmul.f32 v49, v44;
	v0 =	vsel vm0, v56, v58;
	v62 =	vbroadcast v32, $0xF;
	v61, _, _ =	vpop (xrf2);
	(xrf2) =	vadd.scan.msk.f32 $0xffff, v8  }
0x74: {  	v0 =	vsel vm1, v0, v60;
	v22 =	vmul.f32 v54, v51;
	v18 =	vbroadcast v37, $0xF;
	v63, _, _ =	vpop (xrf2)  }
0x75: {  	v0 =	vsel vm2, v0, v62;
	v25 =	vbroadcast v42, $0xF;
	v26, _, _ =	vpop (xrf2);
	(xrf2) =	vadd.scan.msk.f32 $0xffff, v3  }
0x76: {  	v0 =	vsel vm3, v0, v18;
	v27 =	vbroadcast v47, $0xF;
	v28, _, _ =	vpop (xrf2);
	(xrf2) =	vadd.scan.msk.f32 $0xffff, v22  }
0x77: {  	v0 =	vsel vm4, v0, v25;
	v30 =	vbroadcast v52, $0xF;
	v29, _, _ =	vpop (xrf2)  }
0x78: {  	v0 =	vsel vm5, v0, v27;
	v32 =	vbroadcast v57, $0xF;
	v31, _, _ =	vpop (xrf2)  }
0x79: {  	v0 =	vsel vm6, v0, v30;
	v1 =	vbroadcast v61, $0xF;
	v33, _, _ =	vpop (xrf2)  }
0x7a: {  	v0 =	vsel vm7, v0, v32;
	v35 =	vbroadcast v26, $0xF;
	v34, _, _ =	vpop (xrf2)  }
0x7b: {  	v38 =	vld [tilespmem:s26+$0x51F0];
	v0 =	vsel vm8, v0, v1;
	v37 =	vbroadcast v29, $0xF;
	v36, _, _ =	vpop (xrf2)  }
0x7c: {  	v42 =	vld [tilespmem:s26+$0x71E0];
	v0 =	vsel vm9, v0, v35;
	v41 =	vbroadcast v33, $0xF;
	v39, _, _ =	vpop (xrf2)  }
0x7d: {  	v44 =	vbroadcast v20, $0xF;
	v0 =	vsel vm10, v0, v37;
	v8 =	vbroadcast v36, $0xF;
	v43, _, _ =	vpop (xrf2)  }
0x7e: {  	v40 =	vbroadcast v16, $0xF;
	v0 =	vsel vm11, v0, v41;
	v46 =	vbroadcast v43, $0xF  }
0x7f: {  	v6 =	vbroadcast v6, $0xF;
	v45 =	vbroadcast v23, $0xF;
	v0 =	vsel vm12, v0, v8;
	v47, _, _ =	vpop (xrf2)  }
0x80: {  	v49 =	vbroadcast v10, $0xF;
	v1 =	vsel vm0, v40, v44;
	v0 =	vsel vm13, v0, v46;
	v48, _, _ =	vpop (xrf2)  }
0x81: {  	v4 =	vmul.f32 v42, v38;
	v1 =	vsel vm1, v1, v45;
	v0 =	vsel vm14, v0, v48  }
0x82: {  	v50 =	vbroadcast v15, $0xF;
	v1 =	vsel vm2, v1, v6;
	v0 =	vsub.f32 $0.0e+00, v0  }
0x83: {  	v51 =	vbroadcast v17, $0xF;
	v1 =	vsel vm3, v1, v49;
	(xrf2) =	vadd.scan.msk.f32 $0xffff, v4  }
0x84: {  	v52 =	vbroadcast v55, $0xF;
	v1 =	vsel vm4, v1, v50;
	v0 =	vmul.f32 $1.442695020e+00, v0  }
0x85: {  	v53 =	vbroadcast v59, $0xF;
	v1 =	vsel vm5, v1, v51  }
0x86: {  	v54 =	vbroadcast v63, $0xF;
	v1 =	vsel vm6, v1, v52;
	(erf) = vpow2.f32 v0  }
0x87: {  	v55 =	vbroadcast v28, $0xF;
	v1 =	vsel vm7, v1, v53  }
0x88: {  	v56 =	vbroadcast v31, $0xF;
	v0 =	vsel vm8, v1, v54  }
0x89: {  	v57 =	vbroadcast v34, $0xF;
	v0 =	vsel vm9, v0, v55  }
0x8a: {  	v58 =	vbroadcast v39, $0xF;
	v0 =	vsel vm10, v0, v56  }
0x8b: {  	v59 =	vbroadcast v47, $0xF;
	v0 =	vsel vm11, v0, v57  }
0x8c: {  	v0 =	vsel vm12, v0, v58  }
0x8d: {  	v60, _, _ =	vpop (xrf2);
	v0 =	vsel vm13, v0, v59  }
0x8e: {  	v0 =	vsel vm14, v0, v60  }
0x8f: {  	v0 =	vsub.f32 $0.0e+00, v0;
	v61 =	vpop (erf)  }
0x90: {  	v1 =	vadd.f32 $1.000000000e+00, v61  }
0x91: {  	v0 =	vmul.f32 $1.442695020e+00, v0  }
0x92: {  	(erf) = vrcp.f32 v1  }
0x93: {  	(erf) = vpow2.f32 v0;
	_ =	sdelay $0x7  }
0x94: {  	v62 =	vpop (erf)  }
0x95: {  	v63 =	vpop (erf)  }
0x96: {  	v1 =	vadd.f32 $1.000000000e+00, v63;
	_ =	sdelay $0x1  }
0x97: {  	(erf) = vrcp.f32 v1;
	_ =	sdelay $0x8  }
0x98: {  	p1 =	sne.s32 s24, $0x3800;
	v1 =	vpop (erf)  }
.Ltmp2:
0x99: {  	v0 =	vadd.f32 v62, v1;
	(pc) =	sbr.rel @p1 .LBB2_3-.Ltmp2, $3  }
0x9a: {  	_ = 	snop  }
0x9b: {  	v0 =	vmul.f32 $5.000000000e-01, v0;
	_ =	sdelay $0x1  }
0x9c: {  	s24 =	sadd.s32 $0x800, s24;
	[tilespmem:s25+$0x0] =	vst v0;
	s25 =	sadd.s32 $0x10, s25  }
0x9d: {  	s24 =	sshll.u32 s23, $0x8;
	p1 =	seq.s32 s23, $0x27  }
0x9e: {  	s25 =	sadd.s32 @!p1 $0x100, s24;
	s26 =	simm.s32 @!p1 $0x80;
	s28 =	simm.s32 @!p1 $0x5000  }
0x9f: {  	[tilespmem:s28], [sflag:$0x1] =	stream.indirect.gather @!p1 [spmem:s2], $0x20, s25, s26, $0xb8;
	[tilespmem:$0x10620] =	vst v63  }
0xa0: {  	s25 =	sadd.s32 @!p1 $0x2900, s24;
	s28 =	simm.s32 @!p1 $0x7000  }
0xa1: {  	[tilespmem:s28], [sflag:$0x1] =	stream.indirect.gather @!p1 [spmem:s2], $0x20, s25, s26, $0xb8;
	[tilespmem:$0x10620] =	vst v63  }
0xa2: {  	_ =	swait.ge [sflag:s18], $0x1000  }
0xa3: {  	[sflag:s18] =	ssyncset.done $0x0  }
0xa4: {  	[sflag:s18] =	ssyncadd.s32 $0xFFFFF000  }
0xa5: {  	_ =	swait.ge [sflag:s18], $0x1000  }
0xa6: {  	[sflag:s18] =	ssyncset.done $0x0  }
0xa7: {  	s25 =	simm.s32 $0x0;
	s26 =	smov.u32 s21;
	[sflag:s18] =	ssyncadd.s32 $0xFFFFF000  }
.LBB2_5:
0xa8: {  	s28 =	sshra.s32 s25, $0x2  }
0xa9: {  	v0 =	vld [tilespmem:s28+$0x6000]  }
0xaa: {  	v1 =	vld [tilespmem:s28+$0x6010]  }
0xab: {  	v2 =	vld [tilespmem:s28+$0x8000]  }
0xac: {  	v3 =	vld [tilespmem:s28+$0x8010]  }
0xad: {  	v4 =	vld [tilespmem:s28+$0x6020]  }
0xae: {  	v5 =	vld [tilespmem:s28+$0x6030]  }
0xaf: {  	v6 =	vld [tilespmem:s28+$0x8020]  }
0xb0: {  	v7 =	vld [tilespmem:s28+$0x8030]  }
0xb1: {  	v8 =	vld [tilespmem:s28+$0x6040]  }
0xb2: {  	v9 =	vld [tilespmem:s28+$0x6050]  }
0xb3: {  	v10 =	vld [tilespmem:s28+$0x8040]  }
0xb4: {  	v11 =	vld [tilespmem:s28+$0x8050]  }
0xb5: {  	v12 =	vld [tilespmem:s28+$0x6060]  }
0xb6: {  	v13 =	vld [tilespmem:s28+$0x6070]  }
0xb7: {  	v14 =	vld [tilespmem:s28+$0x8060]  }
0xb8: {  	v15 =	vld [tilespmem:s28+$0x8070]  }
0xb9: {  	v16 =	vld [tilespmem:s28+$0x6080]  }
0xba: {  	v17 =	vld [tilespmem:s28+$0x6090]  }
0xbb: {  	v18 =	vld [tilespmem:s28+$0x8080]  }
0xbc: {  	v19 =	vld [tilespmem:s28+$0x8090]  }
0xbd: {  	v20 =	vld [tilespmem:s28+$0x60A0]  }
0xbe: {  	v21 =	vld [tilespmem:s28+$0x60B0]  }
0xbf: {  	v22 =	vld [tilespmem:s28+$0x80A0]  }
0xc0: {  	v23 =	vld [tilespmem:s28+$0x80B0]  }
0xc1: {  	v24 =	vld [tilespmem:s28+$0x60C0]  }
0xc2: {  	v25 =	vld [tilespmem:s28+$0x60D0]  }
0xc3: {  	v26 =	vld [tilespmem:s28+$0x80C0]  }
0xc4: {  	v27 =	vld [tilespmem:s28+$0x80D0]  }
0xc5: {  	v28 =	vld [tilespmem:s28+$0x60E0]  }
0xc6: {  	v29 =	vld [tilespmem:s28+$0x60F0]  }
0xc7: {  	v30 =	vld [tilespmem:s28+$0x80E0]  }
0xc8: {  	v31 =	vld [tilespmem:s28+$0x80F0]  }
0xc9: {  	v32 =	vld [tilespmem:s28+$0x6100]  }
0xca: {  	v33 =	vld [tilespmem:s28+$0x6110]  }
0xcb: {  	v34 =	vld [tilespmem:s28+$0x8100]  }
0xcc: {  	v35 =	vld [tilespmem:s28+$0x6130];
	v0 =	vmul.f32 v3, v0  }
0xcd: {  	v37 =	vld [tilespmem:s28+$0x8120];
	v1 =	vmul.f32 v2, v1  }
0xce: {  	v39 =	vld [tilespmem:s28+$0x8130];
	v63 =	vmul.f32 v7, v4;
	(xrf2) =	vadd.scan.msk.f32 $0xffff, v0  }
0xcf: {  	v41 =	vld [tilespmem:s28+$0x6140];
	v36 =	vmul.f32 v6, v5;
	(xrf2) =	vadd.scan.msk.f32 $0xffff, v1  }
0xd0: {  	v43 =	vld [tilespmem:s28+$0x6150];
	v38 =	vmul.f32 v11, v8;
	(xrf2) =	vadd.scan.msk.f32 $0xffff, v63  }
0xd1: {  	v45 =	vld [tilespmem:s28+$0x8140];
	v40 =	vmul.f32 v10, v9;
	(xrf2) =	vadd.scan.msk.f32 $0xffff, v36  }
0xd2: {  	v47 =	vld [tilespmem:s28+$0x8150];
	v42 =	vmul.f32 v15, v12;
	(xrf2) =	vadd.scan.msk.f32 $0xffff, v38  }
0xd3: {  	v49 =	vld [tilespmem:s28+$0x6160];
	v44 =	vmul.f32 v14, v13;
	(xrf2) =	vadd.scan.msk.f32 $0xffff, v40  }
0xd4: {  	v51 =	vld [tilespmem:s28+$0x6170];
	v46 =	vmul.f32 v19, v16;
	(xrf2) =	vadd.scan.msk.f32 $0xffff, v42  }
0xd5: {  	v53 =	vld [tilespmem:s28+$0x8160];
	v48 =	vmul.f32 v18, v17;
	(xrf2) =	vadd.scan.msk.f32 $0xffff, v44  }
0xd6: {  	v55 =	vld [tilespmem:s28+$0x8170];
	v50 =	vmul.f32 v23, v20;
	(xrf2) =	vadd.scan.msk.f32 $0xffff, v46  }
0xd7: {  	v3 =	vld [tilespmem:s28+$0x8110];
	v52 =	vmul.f32 v22, v21;
	(xrf2) =	vadd.scan.msk.f32 $0xffff, v48  }
0xd8: {  	v57 =	vld [tilespmem:s28+$0x6180];
	v54 =	vmul.f32 v27, v24;
	v14, _, _ =	vpop (xrf2);
	(xrf2) =	vadd.scan.msk.f32 $0xffff, v50  }
0xd9: {  	v2 =	vld [tilespmem:s28+$0x6120];
	v56 =	vmul.f32 v26, v25;
	v16, _, _ =	vpop (xrf2);
	(xrf2) =	vadd.scan.msk.f32 $0xffff, v52  }
0xda: {  	v60 =	vld [tilespmem:s28+$0x6190];
	v59 =	vmul.f32 v31, v28;
	v58, _, _ =	vpop (xrf2);
	(xrf2) =	vadd.scan.msk.f32 $0xffff, v54  }
0xdb: {  	v62 =	vld [tilespmem:s28+$0x8180];
	v61 =	vmul.f32 v30, v29;
	v20, _, _ =	vpop (xrf2);
	(xrf2) =	vadd.scan.msk.f32 $0xffff, v56  }
0xdc: {  	v29 =	vld [tilespmem:s28+$0x8190];
	v28 =	vmul.f32 v3, v32;
	v63, _, _ =	vpop (xrf2);
	(xrf2) =	vadd.scan.msk.f32 $0xffff, v59  }
0xdd: {  	v30 =	vmul.f32 v34, v33;
	v31 =	vld [tilespmem:s28+$0x61A0];
	v23, _, _ =	vpop (xrf2);
	(xrf2) =	vadd.scan.msk.f32 $0xffff, v61  }
0xde: {  	v34 =	vld [tilespmem:s28+$0x61B0];
	v33 =	vmul.f32 v39, v2;
	v32, _, _ =	vpop (xrf2);
	(xrf2) =	vadd.scan.msk.f32 $0xffff, v28  }
0xdf: {  	v35 =	vmul.f32 v37, v35;
	v36 =	vld [tilespmem:s28+$0x81A0];
	v6, _, _ =	vpop (xrf2);
	(xrf2) =	vadd.scan.msk.f32 $0xffff, v30  }
0xe0: {  	v39 =	vld [tilespmem:s28+$0x81B0];
	v38 =	vmul.f32 v47, v41;
	v37, _, _ =	vpop (xrf2);
	(xrf2) =	vadd.scan.msk.f32 $0xffff, v33  }
0xe1: {  	v41 =	vld [tilespmem:s28+$0x61C0];
	v40 =	vmul.f32 v45, v43;
	v10, _, _ =	vpop (xrf2);
	(xrf2) =	vadd.scan.msk.f32 $0xffff, v35  }
0xe2: {  	v43 =	vmul.f32 v55, v49;
	v49 =	vld [tilespmem:s28+$0x81C0];
	v42, _, _ =	vpop (xrf2);
	(xrf2) =	vadd.scan.msk.f32 $0xffff, v38  }
0xe3: {  	v45 =	vmul.f32 v53, v51;
	v46 =	vld [tilespmem:s28+$0x81D0];
	v15, _, _ =	vpop (xrf2);
	(xrf2) =	vadd.scan.msk.f32 $0xffff, v40  }
0xe4: {  	v51 =	vld [tilespmem:s28+$0x61E0];
	v48 =	vmul.f32 v29, v57;
	v47, _, _ =	vpop (xrf2);
	(xrf2) =	vadd.scan.msk.f32 $0xffff, v43  }
0xe5: {  	v44 =	vld [tilespmem:s28+$0x61D0];
	v50 =	vmul.f32 v62, v60;
	v17, _, _ =	vpop (xrf2);
	(xrf2) =	vadd.scan.msk.f32 $0xffff, v45  }
0xe6: {  	v53 =	vmul.f32 v39, v31;
	v54 =	vld [tilespmem:s28+$0x81F0];
	v52, _, _ =	vpop (xrf2);
	(xrf2) =	vadd.scan.msk.f32 $0xffff, v48  }
0xe7: {  	v2 =	vmul.f32 v36, v34;
	v56 =	vbroadcast v14, $0xF;
	v55, _, _ =	vpop (xrf2);
	(xrf2) =	vadd.scan.msk.f32 $0xffff, v50  }
0xe8: {  	v58 =	vbroadcast v58, $0xF;
	v8 =	vmul.f32 v46, v41;
	v57, _, _ =	vpop (xrf2);
	(xrf2) =	vadd.scan.msk.f32 $0xffff, v53  }
0xe9: {  	v60 =	vbroadcast v63, $0xF;
	v59, _, _ =	vpop (xrf2);
	(xrf2) =	vadd.scan.msk.f32 $0xffff, v2  }
0xea: {  	v3 =	vmul.f32 v49, v44;
	v0 =	vsel vm0, v56, v58;
	v62 =	vbroadcast v32, $0xF;
	v61, _, _ =	vpop (xrf2);
	(xrf2) =	vadd.scan.msk.f32 $0xffff, v8  }
0xeb: {  	v0 =	vsel vm1, v0, v60;
	v22 =	vmul.f32 v54, v51;
	v18 =	vbroadcast v37, $0xF;
	v63, _, _ =	vpop (xrf2)  }
0xec: {  	v0 =	vsel vm2, v0, v62;
	v25 =	vbroadcast v42, $0xF;
	v26, _, _ =	vpop (xrf2);
	(xrf2) =	vadd.scan.msk.f32 $0xffff, v3  }
0xed: {  	v0 =	vsel vm3, v0, v18;
	v27 =	vbroadcast v47, $0xF;
	v28, _, _ =	vpop (xrf2);
	(xrf2) =	vadd.scan.msk.f32 $0xffff, v22  }
0xee: {  	v0 =	vsel vm4, v0, v25;
	v30 =	vbroadcast v52, $0xF;
	v29, _, _ =	vpop (xrf2)  }
0xef: {  	v0 =	vsel vm5, v0, v27;
	v32 =	vbroadcast v57, $0xF;
	v31, _, _ =	vpop (xrf2)  }
0xf0: {  	v0 =	vsel vm6, v0, v30;
	v1 =	vbroadcast v61, $0xF;
	v33, _, _ =	vpop (xrf2)  }
0xf1: {  	v0 =	vsel vm7, v0, v32;
	v35 =	vbroadcast v26, $0xF;
	v34, _, _ =	vpop (xrf2)  }
0xf2: {  	v38 =	vld [tilespmem:s28+$0x61F0];
	v0 =	vsel vm8, v0, v1;
	v37 =	vbroadcast v29, $0xF;
	v36, _, _ =	vpop (xrf2)  }
0xf3: {  	v42 =	vld [tilespmem:s28+$0x81E0];
	v0 =	vsel vm9, v0, v35;
	v41 =	vbroadcast v33, $0xF;
	v39, _, _ =	vpop (xrf2)  }
0xf4: {  	v44 =	vbroadcast v20, $0xF;
	v0 =	vsel vm10, v0, v37;
	v8 =	vbroadcast v36, $0xF;
	v43, _, _ =	vpop (xrf2)  }
0xf5: {  	v40 =	vbroadcast v16, $0xF;
	v0 =	vsel vm11, v0, v41;
	v46 =	vbroadcast v43, $0xF  }
0xf6: {  	v6 =	vbroadcast v6, $0xF;
	v45 =	vbroadcast v23, $0xF;
	v0 =	vsel vm12, v0, v8;
	v47, _, _ =	vpop (xrf2)  }
0xf7: {  	v49 =	vbroadcast v10, $0xF;
	v1 =	vsel vm0, v40, v44;
	v0 =	vsel vm13, v0, v46;
	v48, _, _ =	vpop (xrf2)  }
0xf8: {  	v4 =	vmul.f32 v42, v38;
	v1 =	vsel vm1, v1, v45;
	v0 =	vsel vm14, v0, v48  }
0xf9: {  	v50 =	vbroadcast v15, $0xF;
	v1 =	vsel vm2, v1, v6;
	v0 =	vsub.f32 $0.0e+00, v0  }
0xfa: {  	v51 =	vbroadcast v17, $0xF;
	v1 =	vsel vm3, v1, v49;
	(xrf2) =	vadd.scan.msk.f32 $0xffff, v4  }
0xfb: {  	v52 =	vbroadcast v55, $0xF;
	v1 =	vsel vm4, v1, v50;
	v0 =	vmul.f32 $1.442695020e+00, v0  }
0xfc: {  	v53 =	vbroadcast v59, $0xF;
	v1 =	vsel vm5, v1, v51  }
0xfd: {  	v54 =	vbroadcast v63, $0xF;
	v1 =	vsel vm6, v1, v52;
	(erf) = vpow2.f32 v0  }
0xfe: {  	v55 =	vbroadcast v28, $0xF;
	v1 =	vsel vm7, v1, v53  }
0xff: {  	v56 =	vbroadcast v31, $0xF;
	v0 =	vsel vm8, v1, v54  }
0x100: {  	v57 =	vbroadcast v34, $0xF;
	v0 =	vsel vm9, v0, v55  }
0x101: {  	v58 =	vbroadcast v39, $0xF;
	v0 =	vsel vm10, v0, v56  }
0x102: {  	v59 =	vbroadcast v47, $0xF;
	v0 =	vsel vm11, v0, v57  }
0x103: {  	v0 =	vsel vm12, v0, v58  }
0x104: {  	v60, _, _ =	vpop (xrf2);
	v0 =	vsel vm13, v0, v59  }
0x105: {  	v0 =	vsel vm14, v0, v60  }
0x106: {  	v0 =	vsub.f32 $0.0e+00, v0;
	v61 =	vpop (erf)  }
0x107: {  	v1 =	vadd.f32 $1.000000000e+00, v61  }
0x108: {  	v0 =	vmul.f32 $1.442695020e+00, v0  }
0x109: {  	(erf) = vrcp.f32 v1  }
0x10a: {  	(erf) = vpow2.f32 v0;
	_ =	sdelay $0x7  }
0x10b: {  	v62 =	vpop (erf)  }
0x10c: {  	v63 =	vpop (erf)  }
0x10d: {  	v1 =	vadd.f32 $1.000000000e+00, v63;
	_ =	sdelay $0x1  }
0x10e: {  	(erf) = vrcp.f32 v1;
	_ =	sdelay $0x8  }
0x10f: {  	p2 =	sne.s32 s25, $0x3800;
	v1 =	vpop (erf)  }
.Ltmp3:
0x110: {  	v0 =	vadd.f32 v62, v1;
	(pc) =	sbr.rel @p2 .LBB2_5-.Ltmp3, $3  }
0x111: {  	_ = 	snop  }
0x112: {  	v0 =	vmul.f32 $5.000000000e-01, v0;
	_ =	sdelay $0x1  }
0x113: {  	s25 =	sadd.s32 $0x800, s25;
	[tilespmem:s26+$0x0] =	vst v0;
	s26 =	sadd.s32 $0x10, s26  }
.Ltmp4:
0x114: {  	(pc) =	sbr.rel @p1 .LBB2_8-.Ltmp4, $1  }
0x115: {  	_ =	sdelay $0x3  }
.Ltmp5:
0x116: {  	(pc) =	sbr.rel .LBB2_2-.Ltmp5, $4  }
0x117: {  	s25 =	sadd.s32 $0x180, s24;
	s31 =	sadd.s32 $0x2980, s24  }
0x118: {  	[tilespmem:s14], [sflag:$0x2] =	stream.indirect.gather [spmem:s2], $0x20, s25, s11, $0xb8;
	[tilespmem:$0x10620] =	vst v63  }
0x119: {  	s23 =	sadd.s32 $0x1, s23;
	s22 =	sadd.s32 $0x100, s22;
	s21 =	sadd.s32 $0x100, s21  }
0x11a: {  	[tilespmem:s16], [sflag:$0x2] =	stream.indirect.gather [spmem:s2], $0x20, s31, s11, $0xb8;
	[tilespmem:$0x10620] =	vst v63  }
.LBB2_9:
0x11b: {  	_ =	sfence.sel $0x180000  }
0x11c: {  	[bflag:$0x0] =	sbarrier.arrive $0xFFFF  }
0x11d: {  	_ =	strace $0x90000047  }
0x11e: {  	s0 =	sadd.s32 @!p0 $0x100000, s1;
	[bflag:$0x2] =	sbarrier.arrive $0xFFFF  }
0x11f: {  	[sflag:s0] =	ssyncadd.tile.s32 @!p0 $0x1;
	_ =	shalt  }
.Lfunc_end2:
_tile_overlayer_lowered:
.L_overlay_start_2:
0x120: {  	(tag) =	ssettag $0x2  }
0x121: {  	s0 =	rddreg [dreg:$0x0];
	s2 =	stileid.u32  }
0x122: {  	s1 =	rddreg [dreg:$0x1];
	p0 =	sne.s32 s2, $0x0  }
0x123: {  	s3 =	rddreg [dreg:$0x2];
	[bflag:$0x3] =	sbarrier.arrive $0xFFFF;
	s2 =	simm.s32 @!p0 $0x1C03  }
0x124: {  	[timem:s3], [sflag:s2] =	dma.local @!p0 [hbm:s0], s1  }
0x125: {  	s0 =	simm.s32 @!p0 $0x3  }
0x126: {  	_ =	swait.ge @!p0 [sflag:s0], s1  }
0x127: {  	s1 =	ssub.s32 @!p0 $0x0, s1;
	[sflag:s0] =	ssyncset.done @!p0 $0x0  }
0x128: {  	[sflag:s0] =	ssyncadd.s32 @!p0 s1  }
0x129: {  	[bflag:$0x3] =	sbarrier.arrive $0xFFFF  }
0x12a: {  	_ =	shalt  }

</sc_bundles>
